<compile_context>
chip_gen: v7x
topology: tpu7x:2x2x1
jax: 0.10.2.dev20260603
libtpu: 0.0.44.dev20260713+nightly
codegen_flags: <defaults>
</compile_context>

<pallas_src>
import functools

import jax
import jax.numpy as jnp
from jax import lax
from jax.experimental import pallas as pl
from jax.experimental.pallas import tpu as pltpu
from jax.experimental.pallas import tpu_sc as plsc

N_NODES = 10000
N_EDGES = 160000
IN_DIM = 512
OUT_DIM = 256
HALF = 128
NC = 2
NS = 16
CHUNK = 128
CHUNKS_PER_TILE = 80
PASSES = 2
CPP = CHUNKS_PER_TILE // PASSES
EDGES_PER_TILE = CHUNK * CHUNKS_PER_TILE
E_PAD = EDGES_PER_TILE * NS
NODES_PER_TILE = 624
NODES_LAST_TILE = N_NODES - NODES_PER_TILE * (NS - 1)
ACC_ROWS = N_NODES + 16
ROW_BLK = 2000


def _mm_body(x_ref, w_ref, o0_ref, o1_ref):
    dn = (((1,), (1,)), ((), ()))
    o0_ref[...] = lax.dot_general(x_ref[...], w_ref[0:HALF, :], dn,
                                  preferred_element_type=jnp.float32)
    o1_ref[...] = lax.dot_general(x_ref[...], w_ref[HALF:OUT_DIM, :], dn,
                                  preferred_element_type=jnp.float32)


def _linear(x, w):
    return pl.pallas_call(
        _mm_body,
        grid=(N_NODES // ROW_BLK,),
        in_specs=[
            pl.BlockSpec((ROW_BLK, IN_DIM), lambda r: (r, 0)),
            pl.BlockSpec((OUT_DIM, IN_DIM), lambda r: (0, 0)),
        ],
        out_specs=[
            pl.BlockSpec((ROW_BLK, HALF), lambda r: (r, 0)),
            pl.BlockSpec((ROW_BLK, HALF), lambda r: (r, 0)),
        ],
        out_shape=[
            jax.ShapeDtypeStruct((N_NODES, HALF), jnp.float32),
            jax.ShapeDtypeStruct((N_NODES, HALF), jnp.float32),
        ],
    )(x, w)


_mesh = plsc.VectorSubcoreMesh(core_axis_name="c", subcore_axis_name="s",
                               num_cores=NC, num_subcores=NS)


@functools.partial(
    pl.kernel,
    out_type=(jax.ShapeDtypeStruct((N_NODES, HALF), jnp.float32),
              jax.ShapeDtypeStruct((N_NODES, HALF), jnp.float32)),
    mesh=_mesh,
    scratch_types=[
        pltpu.VMEM((CPP, CHUNK), jnp.int32),
        pltpu.VMEM((CPP, CHUNK), jnp.int32),
        pltpu.VMEM((CHUNK, HALF), jnp.float32),
        pltpu.VMEM((CHUNK, HALF), jnp.float32),
        pltpu.VMEM_SHARED((ACC_ROWS, HALF), jnp.float32),
        pltpu.SemaphoreType.DMA,
        pltpu.SemaphoreType.DMA,
    ],
)
def _aggregate(h0, h1, src3, dst3, o0, o1,
               src_v, dst_v, r0, r1, acc, g0, g1):
    bufs = (r0, r1)
    gsems = (g0, g1)
    cid = lax.axis_index("c")
    sid = lax.axis_index("s")
    node0 = sid * NODES_PER_TILE

    def start_gather(jj, b):
        @pl.when(cid == 0)
        def _():
            pltpu.async_copy(h0.at[src_v.at[jj]], bufs[b], gsems[b])

        @pl.when(cid == 1)
        def _():
            pltpu.async_copy(h1.at[src_v.at[jj]], bufs[b], gsems[b])

    def wait_gather(b):
        pltpu.make_async_copy(h0.at[pl.ds(0, CHUNK)], bufs[b], gsems[b]).wait()

    pltpu.sync_copy(src3.at[sid, pl.ds(0, CPP)], src_v)
    pltpu.sync_copy(dst3.at[sid, pl.ds(0, CPP)], dst_v)
    start_gather(0, 0)

    zvec = jnp.zeros((16,), jnp.float32)

    def zrow(i, carry):
        for k in range(8):
            r1[i, pl.ds(k * 16, 16)] = zvec
        return carry

    lax.fori_loop(0, CHUNK, zrow, 0)

    for q in range(4):
        pltpu.sync_copy(r1, acc.at[pl.ds(node0 + q * CHUNK, CHUNK)])

    @pl.when(sid < NS - 1)
    def _():
        pltpu.sync_copy(r1.at[pl.ds(0, 112)],
                        acc.at[pl.ds(node0 + 4 * CHUNK, 112)])

    @pl.when(sid == NS - 1)
    def _():
        pltpu.sync_copy(r1, acc.at[pl.ds(node0 + 4 * CHUNK, CHUNK)])

    plsc.subcore_barrier()

    for p in range(PASSES):
        if p > 0:
            pltpu.sync_copy(src3.at[sid, pl.ds(p * CPP, CPP)], src_v)
            pltpu.sync_copy(dst3.at[sid, pl.ds(p * CPP, CPP)], dst_v)
            start_gather(0, 0)

        def pair(i, carry):
            for b in range(2):
                j = 2 * i + b

                @pl.when(j + 1 < CPP)
                def _(j=j, b=b):
                    start_gather(j + 1, 1 - b)

                wait_gather(b)
                pltpu.sync_copy(bufs[b], acc.at[dst_v.at[j]], add=True)
            return carry

        lax.fori_loop(0, CPP // 2, pair, 0)

    plsc.subcore_barrier()

    @pl.when((cid == 0) & (sid < NS - 1))
    def _():
        pltpu.sync_copy(acc.at[pl.ds(node0, NODES_PER_TILE)],
                        o0.at[pl.ds(node0, NODES_PER_TILE)])

    @pl.when((cid == 0) & (sid == NS - 1))
    def _():
        pltpu.sync_copy(acc.at[pl.ds(node0, NODES_LAST_TILE)],
                        o0.at[pl.ds(node0, NODES_LAST_TILE)])

    @pl.when((cid == 1) & (sid < NS - 1))
    def _():
        pltpu.sync_copy(acc.at[pl.ds(node0, NODES_PER_TILE)],
                        o1.at[pl.ds(node0, NODES_PER_TILE)])

    @pl.when((cid == 1) & (sid == NS - 1))
    def _():
        pltpu.sync_copy(acc.at[pl.ds(node0, NODES_LAST_TILE)],
                        o1.at[pl.ds(node0, NODES_LAST_TILE)])


def kernel(x, edge_index, W):
    ei = edge_index.astype(jnp.int32)
    src = ei[1]
    dst = ei[0]
    ept = N_EDGES // NS
    padt = EDGES_PER_TILE - ept
    pad_src = jnp.broadcast_to(jnp.arange(padt, dtype=jnp.int32), (NS, padt))
    pad_dst = jnp.broadcast_to(
        N_NODES + (jnp.arange(padt, dtype=jnp.int32) % 16), (NS, padt))
    src3 = jnp.concatenate(
        [src.reshape(NS, ept), pad_src], axis=1).reshape(
            NS, CHUNKS_PER_TILE, CHUNK)
    dst3 = jnp.concatenate(
        [dst.reshape(NS, ept), pad_dst], axis=1).reshape(
            NS, CHUNKS_PER_TILE, CHUNK)
    h0, h1 = _linear(x, W)
    o0, o1 = _aggregate(h0, h1, src3, dst3)
    return jnp.concatenate([o0, o1], axis=1)

# --- scband reference (transcript-rebuilt; emitter-appended) ---
"""Pipeline reference for scband-vanilla-gnnlayer-87050397155998 (READ-ONLY COPY).

The authoritative reference and input builder live on the scoring server;
editing this copy changes nothing except your own understanding.
"""

import jax, jax.numpy as jnp
import numpy as np

N_NODES = 10000
N_EDGES = 160000
IN_DIM = 512
OUT_DIM = 256

def setup_inputs(seed: int = 0) -> dict:
    key = jax.random.key(seed)
    k_x, k_e, k_w = jax.random.split(key, 3)
    x = jax.random.normal(k_x, (N_NODES, IN_DIM), dtype=jnp.float32)
    edge_index = jax.random.randint(k_e, (2, N_EDGES), 0, N_NODES, dtype=jnp.int64)
    # torch.nn.Linear(in_dim, out_dim, bias=False): weight shape [out_dim, in_dim]
    W = jax.random.normal(k_w, (OUT_DIM, IN_DIM), dtype=jnp.float32) * (1.0 / np.sqrt(IN_DIM))
    return {"x": x, "edge_index": edge_index, "W": W}

def reference(x, edge_index, W):
    # x = self.linear(x)  (bias=False) -> x @ W.T
    h = x @ W.T
    # x = torch.sparse.mm(adj, x) with binary adjacency given as COO edge_index:
    # out[dst] = sum over edges (dst, src) of h[src]
    src = edge_index[1]
    dst = edge_index[0]
    gathered = jnp.take(h, src, axis=0)
    out = jax.ops.segment_sum(gathered, dst, num_segments=N_NODES)
    return out

if __name__ == "__main__":
    import jax
    _d = setup_inputs()
    print(jax.jit(kernel)(*tuple(_d.values())))

</pallas_src>

<mosaic_0001>
#map = affine_map<(d0, d1) -> (0, 0)>
#map1 = affine_map<(d0, d1) -> (0, 0, 0)>
module attributes {stable_mosaic.version = 14 : i64} {
  func.func @_aggregate(%arg0: i32, %arg1: i32, %arg2: memref<10000x128xf32, #tpu.memory_space<hbm>>, %arg3: memref<10000x128xf32, #tpu.memory_space<hbm>>, %arg4: memref<16x80x128xi32, #tpu.memory_space<hbm>>, %arg5: memref<16x80x128xi32, #tpu.memory_space<hbm>>, %arg6: memref<10000x128xf32, #tpu.memory_space<hbm>>, %arg7: memref<10000x128xf32, #tpu.memory_space<hbm>>, %arg8: memref<40x128xi32, #tpu.memory_space<vmem>>, %arg9: memref<40x128xi32, #tpu.memory_space<vmem>>, %arg10: memref<128x128xf32, #tpu.memory_space<vmem>>, %arg11: memref<128x128xf32, #tpu.memory_space<vmem>>, %arg12: memref<10016x128xf32, #tpu.memory_space<vmem_shared>>, %arg13: memref<!tpu.dma_semaphore, #tpu.memory_space<semaphore_mem>>, %arg14: memref<!tpu.dma_semaphore, #tpu.memory_space<semaphore_mem>>) attributes {dimension_semantics = [#tpu.dimension_semantics<core_parallel>, #tpu.dimension_semantics<subcore_parallel>], iteration_bounds = array<i64: 2, 16>, scalar_prefetch = 0 : i64, scratch_operands = 7 : i64, tpu.core_type = #tpu.core_type<sc_vector_subcore>, window_params = [{transform_indices = #map}, {transform_indices = #map}, {transform_indices = #map1}, {transform_indices = #map1}, {transform_indices = #map}, {transform_indices = #map}]} {
    %mul3A = arith.constant 624 : i32
    %mul3A_0 = arith.muli %arg1, %mul3A : i32
    "tpu.region"() ({
      %run_scoped3A = tpu.sem_alloc : memref<!tpu.dma_semaphore, #tpu.memory_space<semaphore_mem>>
      %dma_start3A = arith.constant 0 : i32
      %dma_start3A_84 = arith.constant 0 : i32
      %dma_start3A_85 = tpu.memref_slice %arg4[%arg1, %dma_start3A, %dma_start3A_84] : memref<16x80x128xi32, #tpu.memory_space<hbm>> -> memref<1x40x128xi32, #tpu.memory_space<hbm>>
      %dma_start3A_86 = tpu.memref_squeeze %dma_start3A_85 : memref<1x40x128xi32, #tpu.memory_space<hbm>> -> memref<40x128xi32, #tpu.memory_space<hbm>>
      %dma_start3A_87 = arith.constant 0 : i32
      %dma_start3A_88 = arith.constant 0 : i32
      %dma_start3A_89 = tpu.memref_slice %arg4[%arg1, %dma_start3A_87, %dma_start3A_88] : memref<16x80x128xi32, #tpu.memory_space<hbm>> -> memref<1x40x128xi32, #tpu.memory_space<hbm>>
      %dma_start3A_90 = tpu.memref_squeeze %dma_start3A_89 : memref<1x40x128xi32, #tpu.memory_space<hbm>> -> memref<40x128xi32, #tpu.memory_space<hbm>>
      tpu.enqueue_dma source(%dma_start3A_90 : memref<40x128xi32, #tpu.memory_space<hbm>>) target(%arg8 : memref<40x128xi32, #tpu.memory_space<vmem>>) target_semaphore(%run_scoped3A : memref<!tpu.dma_semaphore, #tpu.memory_space<semaphore_mem>>)
      %dma_wait3A = arith.constant 0 : i32
      %dma_wait3A_91 = arith.constant 0 : i32
      %dma_wait3A_92 = tpu.memref_slice %arg4[%arg1, %dma_wait3A, %dma_wait3A_91] : memref<16x80x128xi32, #tpu.memory_space<hbm>> -> memref<1x40x128xi32, #tpu.memory_space<hbm>>
      %dma_wait3A_93 = tpu.memref_squeeze %dma_wait3A_92 : memref<1x40x128xi32, #tpu.memory_space<hbm>> -> memref<40x128xi32, #tpu.memory_space<hbm>>
      %dma_wait3A_94 = arith.constant 0 : i32
      %dma_wait3A_95 = arith.constant 0 : i32
      %dma_wait3A_96 = tpu.memref_slice %arg4[%arg1, %dma_wait3A_94, %dma_wait3A_95] : memref<16x80x128xi32, #tpu.memory_space<hbm>> -> memref<1x40x128xi32, #tpu.memory_space<hbm>>
      %dma_wait3A_97 = tpu.memref_squeeze %dma_wait3A_96 : memref<1x40x128xi32, #tpu.memory_space<hbm>> -> memref<40x128xi32, #tpu.memory_space<hbm>>
      tpu.wait_dma2 semaphore(%run_scoped3A : memref<!tpu.dma_semaphore, #tpu.memory_space<semaphore_mem>>) src(%dma_wait3A_97 : memref<40x128xi32, #tpu.memory_space<hbm>>) dst(%arg8 : memref<40x128xi32, #tpu.memory_space<vmem>>)
      tpu.yield
    }) : () -> ()
    "tpu.region"() ({
      %run_scoped3A = tpu.sem_alloc : memref<!tpu.dma_semaphore, #tpu.memory_space<semaphore_mem>>
      %dma_start3A = arith.constant 0 : i32
      %dma_start3A_84 = arith.constant 0 : i32
      %dma_start3A_85 = tpu.memref_slice %arg5[%arg1, %dma_start3A, %dma_start3A_84] : memref<16x80x128xi32, #tpu.memory_space<hbm>> -> memref<1x40x128xi32, #tpu.memory_space<hbm>>
      %dma_start3A_86 = tpu.memref_squeeze %dma_start3A_85 : memref<1x40x128xi32, #tpu.memory_space<hbm>> -> memref<40x128xi32, #tpu.memory_space<hbm>>
      %dma_start3A_87 = arith.constant 0 : i32
      %dma_start3A_88 = arith.constant 0 : i32
      %dma_start3A_89 = tpu.memref_slice %arg5[%arg1, %dma_start3A_87, %dma_start3A_88] : memref<16x80x128xi32, #tpu.memory_space<hbm>> -> memref<1x40x128xi32, #tpu.memory_space<hbm>>
      %dma_start3A_90 = tpu.memref_squeeze %dma_start3A_89 : memref<1x40x128xi32, #tpu.memory_space<hbm>> -> memref<40x128xi32, #tpu.memory_space<hbm>>
      tpu.enqueue_dma source(%dma_start3A_90 : memref<40x128xi32, #tpu.memory_space<hbm>>) target(%arg9 : memref<40x128xi32, #tpu.memory_space<vmem>>) target_semaphore(%run_scoped3A : memref<!tpu.dma_semaphore, #tpu.memory_space<semaphore_mem>>)
      %dma_wait3A = arith.constant 0 : i32
      %dma_wait3A_91 = arith.constant 0 : i32
      %dma_wait3A_92 = tpu.memref_slice %arg5[%arg1, %dma_wait3A, %dma_wait3A_91] : memref<16x80x128xi32, #tpu.memory_space<hbm>> -> memref<1x40x128xi32, #tpu.memory_space<hbm>>
      %dma_wait3A_93 = tpu.memref_squeeze %dma_wait3A_92 : memref<1x40x128xi32, #tpu.memory_space<hbm>> -> memref<40x128xi32, #tpu.memory_space<hbm>>
      %dma_wait3A_94 = arith.constant 0 : i32
      %dma_wait3A_95 = arith.constant 0 : i32
      %dma_wait3A_96 = tpu.memref_slice %arg5[%arg1, %dma_wait3A_94, %dma_wait3A_95] : memref<16x80x128xi32, #tpu.memory_space<hbm>> -> memref<1x40x128xi32, #tpu.memory_space<hbm>>
      %dma_wait3A_97 = tpu.memref_squeeze %dma_wait3A_96 : memref<1x40x128xi32, #tpu.memory_space<hbm>> -> memref<40x128xi32, #tpu.memory_space<hbm>>
      tpu.wait_dma2 semaphore(%run_scoped3A : memref<!tpu.dma_semaphore, #tpu.memory_space<semaphore_mem>>) src(%dma_wait3A_97 : memref<40x128xi32, #tpu.memory_space<hbm>>) dst(%arg9 : memref<40x128xi32, #tpu.memory_space<vmem>>)
      tpu.yield
    }) : () -> ()
    %eq3A = arith.constant 0 : i32
    %eq3A_1 = arith.cmpi eq, %arg0, %eq3A : i32
    %convert_element_type3A = arith.extui %eq3A_1 : i1 to i32
    %cond3A = arith.constant 0 : i32
    %cond3A_2 = arith.cmpi ne, %convert_element_type3A, %cond3A : i32
    scf.if %cond3A_2 {
      %dma_start3A = arith.constant 0 : i32
      %dma_start3A_84 = arith.constant 0 : i32
      %dma_start3A_85 = tpu.memref_slice %arg8[%dma_start3A, %dma_start3A_84] : memref<40x128xi32, #tpu.memory_space<vmem>> -> memref<1x128xi32, #tpu.memory_space<vmem>>
      %dma_start3A_86 = tpu.memref_squeeze %dma_start3A_85 : memref<1x128xi32, #tpu.memory_space<vmem>> -> memref<128xi32, #tpu.memory_space<vmem>>
      %dma_start3A_87 = arith.constant 0 : i32
      %dma_start3A_88 = arith.constant 0 : i32
      %dma_start3A_89 = tpu.memref_slice %arg2[%dma_start3A_87, %dma_start3A_88] : memref<10000x128xf32, #tpu.memory_space<hbm>> -> memref<10000x128xf32, #tpu.memory_space<hbm>>
      tpu.enqueue_indirect_dma source(%dma_start3A_89 : memref<10000x128xf32, #tpu.memory_space<hbm>>) target(%arg10 : memref<128x128xf32, #tpu.memory_space<vmem>>) offsets(%dma_start3A_86 : memref<128xi32, #tpu.memory_space<vmem>>) semaphore(%arg13 : memref<!tpu.dma_semaphore, #tpu.memory_space<semaphore_mem>>)
    } else {
    }
    %eq3A_3 = arith.constant 1 : i32
    %eq3A_4 = arith.cmpi eq, %arg0, %eq3A_3 : i32
    %convert_element_type3A_5 = arith.extui %eq3A_4 : i1 to i32
    %cond3A_6 = arith.constant 0 : i32
    %cond3A_7 = arith.cmpi ne, %convert_element_type3A_5, %cond3A_6 : i32
    scf.if %cond3A_7 {
      %dma_start3A = arith.constant 0 : i32
      %dma_start3A_84 = arith.constant 0 : i32
      %dma_start3A_85 = tpu.memref_slice %arg8[%dma_start3A, %dma_start3A_84] : memref<40x128xi32, #tpu.memory_space<vmem>> -> memref<1x128xi32, #tpu.memory_space<vmem>>
      %dma_start3A_86 = tpu.memref_squeeze %dma_start3A_85 : memref<1x128xi32, #tpu.memory_space<vmem>> -> memref<128xi32, #tpu.memory_space<vmem>>
      %dma_start3A_87 = arith.constant 0 : i32
      %dma_start3A_88 = arith.constant 0 : i32
      %dma_start3A_89 = tpu.memref_slice %arg3[%dma_start3A_87, %dma_start3A_88] : memref<10000x128xf32, #tpu.memory_space<hbm>> -> memref<10000x128xf32, #tpu.memory_space<hbm>>
      tpu.enqueue_indirect_dma source(%dma_start3A_89 : memref<10000x128xf32, #tpu.memory_space<hbm>>) target(%arg10 : memref<128x128xf32, #tpu.memory_space<vmem>>) offsets(%dma_start3A_86 : memref<128xi32, #tpu.memory_space<vmem>>) semaphore(%arg13 : memref<!tpu.dma_semaphore, #tpu.memory_space<semaphore_mem>>)
    } else {
    }
    %broadcast_in_dim3A = arith.constant 0.000000e+00 : f32
    %broadcast_in_dim3A_8 = vector.broadcast %broadcast_in_dim3A : f32 to vector<16xf32>
    %scan3A = arith.constant 0 : i32
    %scan3A_9 = arith.constant 0 : i32
    %scan3A_10 = arith.constant 128 : i32
    %scan3A_11 = arith.addi %scan3A_9, %scan3A_10 : i32
    %scan3A_12 = arith.constant 1 : i32
    scf.for %scan3A_84 = %scan3A_9 to %scan3A_11 step %scan3A_12  : i32 {
      %swap3A = arith.index_cast %scan3A_84 : i32 to index
      %swap3A_85 = arith.constant 0 : index
      %swap3A_86 = tpu.vector_load %arg11[%swap3A, %swap3A_85] {strides = array<i32>} : memref<128x128xf32, #tpu.memory_space<vmem>>, vector<1x16xf32>,
      %swap3A_87 = vector.shape_cast %swap3A_86 : vector<1x16xf32> to vector<16xf32>
      %swap3A_88 = vector.shape_cast %broadcast_in_dim3A_8 : vector<16xf32> to vector<1x16xf32>
      tpu.vector_store %arg11[%swap3A, %swap3A_85], %swap3A_88 {strides = array<i32>} : memref<128x128xf32, #tpu.memory_space<vmem>>, vector<1x16xf32>,
      %swap3A_89 = arith.index_cast %scan3A_84 : i32 to index
      %swap3A_90 = arith.constant 16 : index
      %swap3A_91 = tpu.vector_load %arg11[%swap3A_89, %swap3A_90] {strides = array<i32>} : memref<128x128xf32, #tpu.memory_space<vmem>>, vector<1x16xf32>,
      %swap3A_92 = vector.shape_cast %swap3A_91 : vector<1x16xf32> to vector<16xf32>
      %swap3A_93 = vector.shape_cast %broadcast_in_dim3A_8 : vector<16xf32> to vector<1x16xf32>
      tpu.vector_store %arg11[%swap3A_89, %swap3A_90], %swap3A_93 {strides = array<i32>} : memref<128x128xf32, #tpu.memory_space<vmem>>, vector<1x16xf32>,
      %swap3A_94 = arith.index_cast %scan3A_84 : i32 to index
      %swap3A_95 = arith.constant 32 : index
      %swap3A_96 = tpu.vector_load %arg11[%swap3A_94, %swap3A_95] {strides = array<i32>} : memref<128x128xf32, #tpu.memory_space<vmem>>, vector<1x16xf32>,
      %swap3A_97 = vector.shape_cast %swap3A_96 : vector<1x16xf32> to vector<16xf32>
      %swap3A_98 = vector.shape_cast %broadcast_in_dim3A_8 : vector<16xf32> to vector<1x16xf32>
      tpu.vector_store %arg11[%swap3A_94, %swap3A_95], %swap3A_98 {strides = array<i32>} : memref<128x128xf32, #tpu.memory_space<vmem>>, vector<1x16xf32>,
      %swap3A_99 = arith.index_cast %scan3A_84 : i32 to index
      %swap3A_100 = arith.constant 48 : index
      %swap3A_101 = tpu.vector_load %arg11[%swap3A_99, %swap3A_100] {strides = array<i32>} : memref<128x128xf32, #tpu.memory_space<vmem>>, vector<1x16xf32>,
      %swap3A_102 = vector.shape_cast %swap3A_101 : vector<1x16xf32> to vector<16xf32>
      %swap3A_103 = vector.shape_cast %broadcast_in_dim3A_8 : vector<16xf32> to vector<1x16xf32>
      tpu.vector_store %arg11[%swap3A_99, %swap3A_100], %swap3A_103 {strides = array<i32>} : memref<128x128xf32, #tpu.memory_space<vmem>>, vector<1x16xf32>,
      %swap3A_104 = arith.index_cast %scan3A_84 : i32 to index
      %swap3A_105 = arith.constant 64 : index
      %swap3A_106 = tpu.vector_load %arg11[%swap3A_104, %swap3A_105] {strides = array<i32>} : memref<128x128xf32, #tpu.memory_space<vmem>>, vector<1x16xf32>,
      %swap3A_107 = vector.shape_cast %swap3A_106 : vector<1x16xf32> to vector<16xf32>
      %swap3A_108 = vector.shape_cast %broadcast_in_dim3A_8 : vector<16xf32> to vector<1x16xf32>
      tpu.vector_store %arg11[%swap3A_104, %swap3A_105], %swap3A_108 {strides = array<i32>} : memref<128x128xf32, #tpu.memory_space<vmem>>, vector<1x16xf32>,
      %swap3A_109 = arith.index_cast %scan3A_84 : i32 to index
      %swap3A_110 = arith.constant 80 : index
      %swap3A_111 = tpu.vector_load %arg11[%swap3A_109, %swap3A_110] {strides = array<i32>} : memref<128x128xf32, #tpu.memory_space<vmem>>, vector<1x16xf32>,
      %swap3A_112 = vector.shape_cast %swap3A_111 : vector<1x16xf32> to vector<16xf32>
      %swap3A_113 = vector.shape_cast %broadcast_in_dim3A_8 : vector<16xf32> to vector<1x16xf32>
      tpu.vector_store %arg11[%swap3A_109, %swap3A_110], %swap3A_113 {strides = array<i32>} : memref<128x128xf32, #tpu.memory_space<vmem>>, vector<1x16xf32>,
      %swap3A_114 = arith.index_cast %scan3A_84 : i32 to index
      %swap3A_115 = arith.constant 96 : index
      %swap3A_116 = tpu.vector_load %arg11[%swap3A_114, %swap3A_115] {strides = array<i32>} : memref<128x128xf32, #tpu.memory_space<vmem>>, vector<1x16xf32>,
      %swap3A_117 = vector.shape_cast %swap3A_116 : vector<1x16xf32> to vector<16xf32>
      %swap3A_118 = vector.shape_cast %broadcast_in_dim3A_8 : vector<16xf32> to vector<1x16xf32>
      tpu.vector_store %arg11[%swap3A_114, %swap3A_115], %swap3A_118 {strides = array<i32>} : memref<128x128xf32, #tpu.memory_space<vmem>>, vector<1x16xf32>,
      %swap3A_119 = arith.index_cast %scan3A_84 : i32 to index
      %swap3A_120 = arith.constant 112 : index
      %swap3A_121 = tpu.vector_load %arg11[%swap3A_119, %swap3A_120] {strides = array<i32>} : memref<128x128xf32, #tpu.memory_space<vmem>>, vector<1x16xf32>,
      %swap3A_122 = vector.shape_cast %swap3A_121 : vector<1x16xf32> to vector<16xf32>
      %swap3A_123 = vector.shape_cast %broadcast_in_dim3A_8 : vector<16xf32> to vector<1x16xf32>
      tpu.vector_store %arg11[%swap3A_119, %swap3A_120], %swap3A_123 {strides = array<i32>} : memref<128x128xf32, #tpu.memory_space<vmem>>, vector<1x16xf32>,
    }
    %scan3A_13 = arith.constant 128 : i32
    %add3A = arith.constant 0 : i32
    %add3A_14 = arith.addi %mul3A_0, %add3A : i32
    "tpu.region"() ({
      %run_scoped3A = tpu.sem_alloc : memref<!tpu.dma_semaphore, #tpu.memory_space<semaphore_mem>>
      %dma_start3A = arith.constant 0 : i32
      %dma_start3A_84 = tpu.memref_slice %arg12[%add3A_14, %dma_start3A] : memref<10016x128xf32, #tpu.memory_space<vmem_shared>> -> memref<128x128xf32, #tpu.memory_space<vmem_shared>>
      %dma_start3A_85 = arith.constant 0 : i32
      %dma_start3A_86 = tpu.memref_slice %arg12[%add3A_14, %dma_start3A_85] : memref<10016x128xf32, #tpu.memory_space<vmem_shared>> -> memref<128x128xf32, #tpu.memory_space<vmem_shared>>
      tpu.enqueue_dma source(%arg11 : memref<128x128xf32, #tpu.memory_space<vmem>>) target(%dma_start3A_86 : memref<128x128xf32, #tpu.memory_space<vmem_shared>>) target_semaphore(%run_scoped3A : memref<!tpu.dma_semaphore, #tpu.memory_space<semaphore_mem>>)
      %dma_wait3A = arith.constant 0 : i32
      %dma_wait3A_87 = tpu.memref_slice %arg12[%add3A_14, %dma_wait3A] : memref<10016x128xf32, #tpu.memory_space<vmem_shared>> -> memref<128x128xf32, #tpu.memory_space<vmem_shared>>
      %dma_wait3A_88 = arith.constant 0 : i32
      %dma_wait3A_89 = tpu.memref_slice %arg12[%add3A_14, %dma_wait3A_88] : memref<10016x128xf32, #tpu.memory_space<vmem_shared>> -> memref<128x128xf32, #tpu.memory_space<vmem_shared>>
      tpu.wait_dma2 semaphore(%run_scoped3A : memref<!tpu.dma_semaphore, #tpu.memory_space<semaphore_mem>>) src(%arg11 : memref<128x128xf32, #tpu.memory_space<vmem>>) dst(%dma_wait3A_89 : memref<128x128xf32, #tpu.memory_space<vmem_shared>>)
      tpu.yield
    }) : () -> ()
    %add3A_15 = arith.constant 128 : i32
    %add3A_16 = arith.addi %mul3A_0, %add3A_15 : i32
    "tpu.region"() ({
      %run_scoped3A = tpu.sem_alloc : memref<!tpu.dma_semaphore, #tpu.memory_space<semaphore_mem>>
      %dma_start3A = arith.constant 0 : i32
      %dma_start3A_84 = tpu.memref_slice %arg12[%add3A_16, %dma_start3A] : memref<10016x128xf32, #tpu.memory_space<vmem_shared>> -> memref<128x128xf32, #tpu.memory_space<vmem_shared>>
      %dma_start3A_85 = arith.constant 0 : i32
      %dma_start3A_86 = tpu.memref_slice %arg12[%add3A_16, %dma_start3A_85] : memref<10016x128xf32, #tpu.memory_space<vmem_shared>> -> memref<128x128xf32, #tpu.memory_space<vmem_shared>>
      tpu.enqueue_dma source(%arg11 : memref<128x128xf32, #tpu.memory_space<vmem>>) target(%dma_start3A_86 : memref<128x128xf32, #tpu.memory_space<vmem_shared>>) target_semaphore(%run_scoped3A : memref<!tpu.dma_semaphore, #tpu.memory_space<semaphore_mem>>)
      %dma_wait3A = arith.constant 0 : i32
      %dma_wait3A_87 = tpu.memref_slice %arg12[%add3A_16, %dma_wait3A] : memref<10016x128xf32, #tpu.memory_space<vmem_shared>> -> memref<128x128xf32, #tpu.memory_space<vmem_shared>>
      %dma_wait3A_88 = arith.constant 0 : i32
      %dma_wait3A_89 = tpu.memref_slice %arg12[%add3A_16, %dma_wait3A_88] : memref<10016x128xf32, #tpu.memory_space<vmem_shared>> -> memref<128x128xf32, #tpu.memory_space<vmem_shared>>
      tpu.wait_dma2 semaphore(%run_scoped3A : memref<!tpu.dma_semaphore, #tpu.memory_space<semaphore_mem>>) src(%arg11 : memref<128x128xf32, #tpu.memory_space<vmem>>) dst(%dma_wait3A_89 : memref<128x128xf32, #tpu.memory_space<vmem_shared>>)
      tpu.yield
    }) : () -> ()
    %add3A_17 = arith.constant 256 : i32
    %add3A_18 = arith.addi %mul3A_0, %add3A_17 : i32
    "tpu.region"() ({
      %run_scoped3A = tpu.sem_alloc : memref<!tpu.dma_semaphore, #tpu.memory_space<semaphore_mem>>
      %dma_start3A = arith.constant 0 : i32
      %dma_start3A_84 = tpu.memref_slice %arg12[%add3A_18, %dma_start3A] : memref<10016x128xf32, #tpu.memory_space<vmem_shared>> -> memref<128x128xf32, #tpu.memory_space<vmem_shared>>
      %dma_start3A_85 = arith.constant 0 : i32
      %dma_start3A_86 = tpu.memref_slice %arg12[%add3A_18, %dma_start3A_85] : memref<10016x128xf32, #tpu.memory_space<vmem_shared>> -> memref<128x128xf32, #tpu.memory_space<vmem_shared>>
      tpu.enqueue_dma source(%arg11 : memref<128x128xf32, #tpu.memory_space<vmem>>) target(%dma_start3A_86 : memref<128x128xf32, #tpu.memory_space<vmem_shared>>) target_semaphore(%run_scoped3A : memref<!tpu.dma_semaphore, #tpu.memory_space<semaphore_mem>>)
      %dma_wait3A = arith.constant 0 : i32
      %dma_wait3A_87 = tpu.memref_slice %arg12[%add3A_18, %dma_wait3A] : memref<10016x128xf32, #tpu.memory_space<vmem_shared>> -> memref<128x128xf32, #tpu.memory_space<vmem_shared>>
      %dma_wait3A_88 = arith.constant 0 : i32
      %dma_wait3A_89 = tpu.memref_slice %arg12[%add3A_18, %dma_wait3A_88] : memref<10016x128xf32, #tpu.memory_space<vmem_shared>> -> memref<128x128xf32, #tpu.memory_space<vmem_shared>>
      tpu.wait_dma2 semaphore(%run_scoped3A : memref<!tpu.dma_semaphore, #tpu.memory_space<semaphore_mem>>) src(%arg11 : memref<128x128xf32, #tpu.memory_space<vmem>>) dst(%dma_wait3A_89 : memref<128x128xf32, #tpu.memory_space<vmem_shared>>)
      tpu.yield
    }) : () -> ()
    %add3A_19 = arith.constant 384 : i32
    %add3A_20 = arith.addi %mul3A_0, %add3A_19 : i32
    "tpu.region"() ({
      %run_scoped3A = tpu.sem_alloc : memref<!tpu.dma_semaphore, #tpu.memory_space<semaphore_mem>>
      %dma_start3A = arith.constant 0 : i32
      %dma_start3A_84 = tpu.memref_slice %arg12[%add3A_20, %dma_start3A] : memref<10016x128xf32, #tpu.memory_space<vmem_shared>> -> memref<128x128xf32, #tpu.memory_space<vmem_shared>>
      %dma_start3A_85 = arith.constant 0 : i32
      %dma_start3A_86 = tpu.memref_slice %arg12[%add3A_20, %dma_start3A_85] : memref<10016x128xf32, #tpu.memory_space<vmem_shared>> -> memref<128x128xf32, #tpu.memory_space<vmem_shared>>
      tpu.enqueue_dma source(%arg11 : memref<128x128xf32, #tpu.memory_space<vmem>>) target(%dma_start3A_86 : memref<128x128xf32, #tpu.memory_space<vmem_shared>>) target_semaphore(%run_scoped3A : memref<!tpu.dma_semaphore, #tpu.memory_space<semaphore_mem>>)
      %dma_wait3A = arith.constant 0 : i32
      %dma_wait3A_87 = tpu.memref_slice %arg12[%add3A_20, %dma_wait3A] : memref<10016x128xf32, #tpu.memory_space<vmem_shared>> -> memref<128x128xf32, #tpu.memory_space<vmem_shared>>
      %dma_wait3A_88 = arith.constant 0 : i32
      %dma_wait3A_89 = tpu.memref_slice %arg12[%add3A_20, %dma_wait3A_88] : memref<10016x128xf32, #tpu.memory_space<vmem_shared>> -> memref<128x128xf32, #tpu.memory_space<vmem_shared>>
      tpu.wait_dma2 semaphore(%run_scoped3A : memref<!tpu.dma_semaphore, #tpu.memory_space<semaphore_mem>>) src(%arg11 : memref<128x128xf32, #tpu.memory_space<vmem>>) dst(%dma_wait3A_89 : memref<128x128xf32, #tpu.memory_space<vmem_shared>>)
      tpu.yield
    }) : () -> ()
    %lt3A = arith.constant 15 : i32
    %lt3A_21 = arith.cmpi slt, %arg1, %lt3A : i32
    %convert_element_type3A_22 = arith.extui %lt3A_21 : i1 to i32
    %cond3A_23 = arith.constant 0 : i32
    %cond3A_24 = arith.cmpi ne, %convert_element_type3A_22, %cond3A_23 : i32
    scf.if %cond3A_24 {
      %add3A_84 = arith.constant 512 : i32
      %add3A_85 = arith.addi %mul3A_0, %add3A_84 : i32
      "tpu.region"() ({
        %run_scoped3A = tpu.sem_alloc : memref<!tpu.dma_semaphore, #tpu.memory_space<semaphore_mem>>
        %dma_start3A = arith.constant 0 : i32
        %dma_start3A_86 = arith.constant 0 : i32
        %dma_start3A_87 = tpu.memref_slice %arg11[%dma_start3A, %dma_start3A_86] : memref<128x128xf32, #tpu.memory_space<vmem>> -> memref<112x128xf32, #tpu.memory_space<vmem>>
        %dma_start3A_88 = arith.constant 0 : i32
        %dma_start3A_89 = tpu.memref_slice %arg12[%add3A_85, %dma_start3A_88] : memref<10016x128xf32, #tpu.memory_space<vmem_shared>> -> memref<112x128xf32, #tpu.memory_space<vmem_shared>>
        %dma_start3A_90 = arith.constant 0 : i32
        %dma_start3A_91 = tpu.memref_slice %arg12[%add3A_85, %dma_start3A_90] : memref<10016x128xf32, #tpu.memory_space<vmem_shared>> -> memref<112x128xf32, #tpu.memory_space<vmem_shared>>
        %dma_start3A_92 = arith.constant 0 : i32
        %dma_start3A_93 = arith.constant 0 : i32
        %dma_start3A_94 = tpu.memref_slice %arg11[%dma_start3A_92, %dma_start3A_93] : memref<128x128xf32, #tpu.memory_space<vmem>> -> memref<112x128xf32, #tpu.memory_space<vmem>>
        tpu.enqueue_dma source(%dma_start3A_94 : memref<112x128xf32, #tpu.memory_space<vmem>>) target(%dma_start3A_91 : memref<112x128xf32, #tpu.memory_space<vmem_shared>>) target_semaphore(%run_scoped3A : memref<!tpu.dma_semaphore, #tpu.memory_space<semaphore_mem>>)
        %dma_wait3A = arith.constant 0 : i32
        %dma_wait3A_95 = arith.constant 0 : i32
        %dma_wait3A_96 = tpu.memref_slice %arg11[%dma_wait3A, %dma_wait3A_95] : memref<128x128xf32, #tpu.memory_space<vmem>> -> memref<112x128xf32, #tpu.memory_space<vmem>>
        %dma_wait3A_97 = arith.constant 0 : i32
        %dma_wait3A_98 = tpu.memref_slice %arg12[%add3A_85, %dma_wait3A_97] : memref<10016x128xf32, #tpu.memory_space<vmem_shared>> -> memref<112x128xf32, #tpu.memory_space<vmem_shared>>
        %dma_wait3A_99 = arith.constant 0 : i32
        %dma_wait3A_100 = tpu.memref_slice %arg12[%add3A_85, %dma_wait3A_99] : memref<10016x128xf32, #tpu.memory_space<vmem_shared>> -> memref<112x128xf32, #tpu.memory_space<vmem_shared>>
        %dma_wait3A_101 = arith.constant 0 : i32
        %dma_wait3A_102 = arith.constant 0 : i32
        %dma_wait3A_103 = tpu.memref_slice %arg11[%dma_wait3A_101, %dma_wait3A_102] : memref<128x128xf32, #tpu.memory_space<vmem>> -> memref<112x128xf32, #tpu.memory_space<vmem>>
        tpu.wait_dma2 semaphore(%run_scoped3A : memref<!tpu.dma_semaphore, #tpu.memory_space<semaphore_mem>>) src(%dma_wait3A_103 : memref<112x128xf32, #tpu.memory_space<vmem>>) dst(%dma_wait3A_100 : memref<112x128xf32, #tpu.memory_space<vmem_shared>>)
        tpu.yield
      }) : () -> ()
    } else {
    }
    %eq3A_25 = arith.constant 15 : i32
    %eq3A_26 = arith.cmpi eq, %arg1, %eq3A_25 : i32
    %convert_element_type3A_27 = arith.extui %eq3A_26 : i1 to i32
    %cond3A_28 = arith.constant 0 : i32
    %cond3A_29 = arith.cmpi ne, %convert_element_type3A_27, %cond3A_28 : i32
    scf.if %cond3A_29 {
      %add3A_84 = arith.constant 512 : i32
      %add3A_85 = arith.addi %mul3A_0, %add3A_84 : i32
      "tpu.region"() ({
        %run_scoped3A = tpu.sem_alloc : memref<!tpu.dma_semaphore, #tpu.memory_space<semaphore_mem>>
        %dma_start3A = arith.constant 0 : i32
        %dma_start3A_86 = tpu.memref_slice %arg12[%add3A_85, %dma_start3A] : memref<10016x128xf32, #tpu.memory_space<vmem_shared>> -> memref<128x128xf32, #tpu.memory_space<vmem_shared>>
        %dma_start3A_87 = arith.constant 0 : i32
        %dma_start3A_88 = tpu.memref_slice %arg12[%add3A_85, %dma_start3A_87] : memref<10016x128xf32, #tpu.memory_space<vmem_shared>> -> memref<128x128xf32, #tpu.memory_space<vmem_shared>>
        tpu.enqueue_dma source(%arg11 : memref<128x128xf32, #tpu.memory_space<vmem>>) target(%dma_start3A_88 : memref<128x128xf32, #tpu.memory_space<vmem_shared>>) target_semaphore(%run_scoped3A : memref<!tpu.dma_semaphore, #tpu.memory_space<semaphore_mem>>)
        %dma_wait3A = arith.constant 0 : i32
        %dma_wait3A_89 = tpu.memref_slice %arg12[%add3A_85, %dma_wait3A] : memref<10016x128xf32, #tpu.memory_space<vmem_shared>> -> memref<128x128xf32, #tpu.memory_space<vmem_shared>>
        %dma_wait3A_90 = arith.constant 0 : i32
        %dma_wait3A_91 = tpu.memref_slice %arg12[%add3A_85, %dma_wait3A_90] : memref<10016x128xf32, #tpu.memory_space<vmem_shared>> -> memref<128x128xf32, #tpu.memory_space<vmem_shared>>
        tpu.wait_dma2 semaphore(%run_scoped3A : memref<!tpu.dma_semaphore, #tpu.memory_space<semaphore_mem>>) src(%arg11 : memref<128x128xf32, #tpu.memory_space<vmem>>) dst(%dma_wait3A_91 : memref<128x128xf32, #tpu.memory_space<vmem_shared>>)
        tpu.yield
      }) : () -> ()
    } else {
    }
    %barrier3A = arith.constant 0 : index
    tpu.barrier barrier_id(%barrier3A)
    %scan3A_30 = arith.constant 0 : i32
    %scan3A_31 = arith.constant 0 : i32
    %scan3A_32 = arith.constant 20 : i32
    %scan3A_33 = arith.addi %scan3A_31, %scan3A_32 : i32
    %scan3A_34 = arith.constant 1 : i32
    scf.for %scan3A_84 = %scan3A_31 to %scan3A_33 step %scan3A_34  : i32 {
      %mul3A_85 = arith.constant 2 : i32
      %mul3A_86 = arith.muli %mul3A_85, %scan3A_84 : i32
      %add3A_87 = arith.constant 0 : i32
      %add3A_88 = arith.addi %mul3A_86, %add3A_87 : i32
      %add3A_89 = arith.constant 1 : i32
      %add3A_90 = arith.addi %add3A_88, %add3A_89 : i32
      %lt3A_91 = arith.constant 40 : i32
      %lt3A_92 = arith.cmpi slt, %add3A_90, %lt3A_91 : i32
      %convert_element_type3A_93 = arith.extui %lt3A_92 : i1 to i32
      %cond3A_94 = arith.constant 0 : i32
      %cond3A_95 = arith.cmpi ne, %convert_element_type3A_93, %cond3A_94 : i32
      scf.if %cond3A_95 {
        %add3A_118 = arith.constant 1 : i32
        %add3A_119 = arith.addi %add3A_88, %add3A_118 : i32
        %eq3A_120 = arith.constant 0 : i32
        %eq3A_121 = arith.cmpi eq, %arg0, %eq3A_120 : i32
        %convert_element_type3A_122 = arith.extui %eq3A_121 : i1 to i32
        %cond3A_123 = arith.constant 0 : i32
        %cond3A_124 = arith.cmpi ne, %convert_element_type3A_122, %cond3A_123 : i32
        scf.if %cond3A_124 {
          %dma_start3A = arith.constant 0 : i32
          %dma_start3A_130 = tpu.memref_slice %arg8[%add3A_119, %dma_start3A] : memref<40x128xi32, #tpu.memory_space<vmem>> -> memref<1x128xi32, #tpu.memory_space<vmem>>
          %dma_start3A_131 = tpu.memref_squeeze %dma_start3A_130 : memref<1x128xi32, #tpu.memory_space<vmem>> -> memref<128xi32, #tpu.memory_space<vmem>>
          %dma_start3A_132 = arith.constant 0 : i32
          %dma_start3A_133 = arith.constant 0 : i32
          %dma_start3A_134 = tpu.memref_slice %arg2[%dma_start3A_132, %dma_start3A_133] : memref<10000x128xf32, #tpu.memory_space<hbm>> -> memref<10000x128xf32, #tpu.memory_space<hbm>>
          tpu.enqueue_indirect_dma source(%dma_start3A_134 : memref<10000x128xf32, #tpu.memory_space<hbm>>) target(%arg11 : memref<128x128xf32, #tpu.memory_space<vmem>>) offsets(%dma_start3A_131 : memref<128xi32, #tpu.memory_space<vmem>>) semaphore(%arg14 : memref<!tpu.dma_semaphore, #tpu.memory_space<semaphore_mem>>)
        } else {
        }
        %eq3A_125 = arith.constant 1 : i32
        %eq3A_126 = arith.cmpi eq, %arg0, %eq3A_125 : i32
        %convert_element_type3A_127 = arith.extui %eq3A_126 : i1 to i32
        %cond3A_128 = arith.constant 0 : i32
        %cond3A_129 = arith.cmpi ne, %convert_element_type3A_127, %cond3A_128 : i32
        scf.if %cond3A_129 {
          %dma_start3A = arith.constant 0 : i32
          %dma_start3A_130 = tpu.memref_slice %arg8[%add3A_119, %dma_start3A] : memref<40x128xi32, #tpu.memory_space<vmem>> -> memref<1x128xi32, #tpu.memory_space<vmem>>
          %dma_start3A_131 = tpu.memref_squeeze %dma_start3A_130 : memref<1x128xi32, #tpu.memory_space<vmem>> -> memref<128xi32, #tpu.memory_space<vmem>>
          %dma_start3A_132 = arith.constant 0 : i32
          %dma_start3A_133 = arith.constant 0 : i32
          %dma_start3A_134 = tpu.memref_slice %arg3[%dma_start3A_132, %dma_start3A_133] : memref<10000x128xf32, #tpu.memory_space<hbm>> -> memref<10000x128xf32, #tpu.memory_space<hbm>>
          tpu.enqueue_indirect_dma source(%dma_start3A_134 : memref<10000x128xf32, #tpu.memory_space<hbm>>) target(%arg11 : memref<128x128xf32, #tpu.memory_space<vmem>>) offsets(%dma_start3A_131 : memref<128xi32, #tpu.memory_space<vmem>>) semaphore(%arg14 : memref<!tpu.dma_semaphore, #tpu.memory_space<semaphore_mem>>)
        } else {
        }
      } else {
      }
      %dma_wait3A = arith.constant 0 : i32
      %dma_wait3A_96 = arith.constant 0 : i32
      %dma_wait3A_97 = tpu.memref_slice %arg2[%dma_wait3A, %dma_wait3A_96] : memref<10000x128xf32, #tpu.memory_space<hbm>> -> memref<128x128xf32, #tpu.memory_space<hbm>>
      %dma_wait3A_98 = arith.constant 0 : i32
      %dma_wait3A_99 = arith.constant 0 : i32
      %dma_wait3A_100 = tpu.memref_slice %arg2[%dma_wait3A_98, %dma_wait3A_99] : memref<10000x128xf32, #tpu.memory_space<hbm>> -> memref<128x128xf32, #tpu.memory_space<hbm>>
      tpu.wait_dma2 semaphore(%arg13 : memref<!tpu.dma_semaphore, #tpu.memory_space<semaphore_mem>>) src(%dma_wait3A_100 : memref<128x128xf32, #tpu.memory_space<hbm>>) dst(%arg10 : memref<128x128xf32, #tpu.memory_space<vmem>>)
      "tpu.region"() ({
        %run_scoped3A = tpu.sem_alloc : memref<!tpu.dma_semaphore, #tpu.memory_space<semaphore_mem>>
        %dma_start3A = arith.constant 0 : i32
        %dma_start3A_118 = tpu.memref_slice %arg9[%add3A_88, %dma_start3A] : memref<40x128xi32, #tpu.memory_space<vmem>> -> memref<1x128xi32, #tpu.memory_space<vmem>>
        %dma_start3A_119 = tpu.memref_squeeze %dma_start3A_118 : memref<1x128xi32, #tpu.memory_space<vmem>> -> memref<128xi32, #tpu.memory_space<vmem>>
        %dma_start3A_120 = arith.constant 0 : i32
        %dma_start3A_121 = arith.constant 0 : i32
        %dma_start3A_122 = tpu.memref_slice %arg12[%dma_start3A_120, %dma_start3A_121] : memref<10016x128xf32, #tpu.memory_space<vmem_shared>> -> memref<10016x128xf32, #tpu.memory_space<vmem_shared>>
        tpu.enqueue_indirect_dma source(%arg10 : memref<128x128xf32, #tpu.memory_space<vmem>>) target(%dma_start3A_122 : memref<10016x128xf32, #tpu.memory_space<vmem_shared>>) offsets(%dma_start3A_119 : memref<128xi32, #tpu.memory_space<vmem>>) semaphore(%run_scoped3A : memref<!tpu.dma_semaphore, #tpu.memory_space<semaphore_mem>>) {add = true}
        %dma_wait3A_123 = arith.constant 0 : i32
        %dma_wait3A_124 = tpu.memref_slice %arg9[%add3A_88, %dma_wait3A_123] : memref<40x128xi32, #tpu.memory_space<vmem>> -> memref<1x128xi32, #tpu.memory_space<vmem>>
        %dma_wait3A_125 = tpu.memref_squeeze %dma_wait3A_124 : memref<1x128xi32, #tpu.memory_space<vmem>> -> memref<128xi32, #tpu.memory_space<vmem>>
        %dma_wait3A_126 = arith.constant 0 : i32
        %dma_wait3A_127 = arith.constant 0 : i32
        %dma_wait3A_128 = tpu.memref_slice %arg12[%dma_wait3A_126, %dma_wait3A_127] : memref<10016x128xf32, #tpu.memory_space<vmem_shared>> -> memref<10016x128xf32, #tpu.memory_space<vmem_shared>>
        tpu.wait_indirect_dma semaphore(%run_scoped3A : memref<!tpu.dma_semaphore, #tpu.memory_space<semaphore_mem>>) src(%arg10 : memref<128x128xf32, #tpu.memory_space<vmem>>) dst(%dma_wait3A_128 : memref<10016x128xf32, #tpu.memory_space<vmem_shared>>)
        tpu.yield
      }) : () -> ()
      %mul3A_101 = arith.constant 2 : i32
      %mul3A_102 = arith.muli %mul3A_101, %scan3A_84 : i32
      %add3A_103 = arith.constant 1 : i32
      %add3A_104 = arith.addi %mul3A_102, %add3A_103 : i32
      %add3A_105 = arith.constant 1 : i32
      %add3A_106 = arith.addi %add3A_104, %add3A_105 : i32
      %lt3A_107 = arith.constant 40 : i32
      %lt3A_108 = arith.cmpi slt, %add3A_106, %lt3A_107 : i32
      %convert_element_type3A_109 = arith.extui %lt3A_108 : i1 to i32
      %cond3A_110 = arith.constant 0 : i32
      %cond3A_111 = arith.cmpi ne, %convert_element_type3A_109, %cond3A_110 : i32
      scf.if %cond3A_111 {
        %add3A_118 = arith.constant 1 : i32
        %add3A_119 = arith.addi %add3A_104, %add3A_118 : i32
        %eq3A_120 = arith.constant 0 : i32
        %eq3A_121 = arith.cmpi eq, %arg0, %eq3A_120 : i32
        %convert_element_type3A_122 = arith.extui %eq3A_121 : i1 to i32
        %cond3A_123 = arith.constant 0 : i32
        %cond3A_124 = arith.cmpi ne, %convert_element_type3A_122, %cond3A_123 : i32
        scf.if %cond3A_124 {
          %dma_start3A = arith.constant 0 : i32
          %dma_start3A_130 = tpu.memref_slice %arg8[%add3A_119, %dma_start3A] : memref<40x128xi32, #tpu.memory_space<vmem>> -> memref<1x128xi32, #tpu.memory_space<vmem>>
          %dma_start3A_131 = tpu.memref_squeeze %dma_start3A_130 : memref<1x128xi32, #tpu.memory_space<vmem>> -> memref<128xi32, #tpu.memory_space<vmem>>
          %dma_start3A_132 = arith.constant 0 : i32
          %dma_start3A_133 = arith.constant 0 : i32
          %dma_start3A_134 = tpu.memref_slice %arg2[%dma_start3A_132, %dma_start3A_133] : memref<10000x128xf32, #tpu.memory_space<hbm>> -> memref<10000x128xf32, #tpu.memory_space<hbm>>
          tpu.enqueue_indirect_dma source(%dma_start3A_134 : memref<10000x128xf32, #tpu.memory_space<hbm>>) target(%arg10 : memref<128x128xf32, #tpu.memory_space<vmem>>) offsets(%dma_start3A_131 : memref<128xi32, #tpu.memory_space<vmem>>) semaphore(%arg13 : memref<!tpu.dma_semaphore, #tpu.memory_space<semaphore_mem>>)
        } else {
        }
        %eq3A_125 = arith.constant 1 : i32
        %eq3A_126 = arith.cmpi eq, %arg0, %eq3A_125 : i32
        %convert_element_type3A_127 = arith.extui %eq3A_126 : i1 to i32
        %cond3A_128 = arith.constant 0 : i32
        %cond3A_129 = arith.cmpi ne, %convert_element_type3A_127, %cond3A_128 : i32
        scf.if %cond3A_129 {
          %dma_start3A = arith.constant 0 : i32
          %dma_start3A_130 = tpu.memref_slice %arg8[%add3A_119, %dma_start3A] : memref<40x128xi32, #tpu.memory_space<vmem>> -> memref<1x128xi32, #tpu.memory_space<vmem>>
          %dma_start3A_131 = tpu.memref_squeeze %dma_start3A_130 : memref<1x128xi32, #tpu.memory_space<vmem>> -> memref<128xi32, #tpu.memory_space<vmem>>
          %dma_start3A_132 = arith.constant 0 : i32
          %dma_start3A_133 = arith.constant 0 : i32
          %dma_start3A_134 = tpu.memref_slice %arg3[%dma_start3A_132, %dma_start3A_133] : memref<10000x128xf32, #tpu.memory_space<hbm>> -> memref<10000x128xf32, #tpu.memory_space<hbm>>
          tpu.enqueue_indirect_dma source(%dma_start3A_134 : memref<10000x128xf32, #tpu.memory_space<hbm>>) target(%arg10 : memref<128x128xf32, #tpu.memory_space<vmem>>) offsets(%dma_start3A_131 : memref<128xi32, #tpu.memory_space<vmem>>) semaphore(%arg13 : memref<!tpu.dma_semaphore, #tpu.memory_space<semaphore_mem>>)
        } else {
        }
      } else {
      }
      %dma_wait3A_112 = arith.constant 0 : i32
      %dma_wait3A_113 = arith.constant 0 : i32
      %dma_wait3A_114 = tpu.memref_slice %arg2[%dma_wait3A_112, %dma_wait3A_113] : memref<10000x128xf32, #tpu.memory_space<hbm>> -> memref<128x128xf32, #tpu.memory_space<hbm>>
      %dma_wait3A_115 = arith.constant 0 : i32
      %dma_wait3A_116 = arith.constant 0 : i32
      %dma_wait3A_117 = tpu.memref_slice %arg2[%dma_wait3A_115, %dma_wait3A_116] : memref<10000x128xf32, #tpu.memory_space<hbm>> -> memref<128x128xf32, #tpu.memory_space<hbm>>
      tpu.wait_dma2 semaphore(%arg14 : memref<!tpu.dma_semaphore, #tpu.memory_space<semaphore_mem>>) src(%dma_wait3A_117 : memref<128x128xf32, #tpu.memory_space<hbm>>) dst(%arg11 : memref<128x128xf32, #tpu.memory_space<vmem>>)
      "tpu.region"() ({
        %run_scoped3A = tpu.sem_alloc : memref<!tpu.dma_semaphore, #tpu.memory_space<semaphore_mem>>
        %dma_start3A = arith.constant 0 : i32
        %dma_start3A_118 = tpu.memref_slice %arg9[%add3A_104, %dma_start3A] : memref<40x128xi32, #tpu.memory_space<vmem>> -> memref<1x128xi32, #tpu.memory_space<vmem>>
        %dma_start3A_119 = tpu.memref_squeeze %dma_start3A_118 : memref<1x128xi32, #tpu.memory_space<vmem>> -> memref<128xi32, #tpu.memory_space<vmem>>
        %dma_start3A_120 = arith.constant 0 : i32
        %dma_start3A_121 = arith.constant 0 : i32
        %dma_start3A_122 = tpu.memref_slice %arg12[%dma_start3A_120, %dma_start3A_121] : memref<10016x128xf32, #tpu.memory_space<vmem_shared>> -> memref<10016x128xf32, #tpu.memory_space<vmem_shared>>
        tpu.enqueue_indirect_dma source(%arg11 : memref<128x128xf32, #tpu.memory_space<vmem>>) target(%dma_start3A_122 : memref<10016x128xf32, #tpu.memory_space<vmem_shared>>) offsets(%dma_start3A_119 : memref<128xi32, #tpu.memory_space<vmem>>) semaphore(%run_scoped3A : memref<!tpu.dma_semaphore, #tpu.memory_space<semaphore_mem>>) {add = true}
        %dma_wait3A_123 = arith.constant 0 : i32
        %dma_wait3A_124 = tpu.memref_slice %arg9[%add3A_104, %dma_wait3A_123] : memref<40x128xi32, #tpu.memory_space<vmem>> -> memref<1x128xi32, #tpu.memory_space<vmem>>
        %dma_wait3A_125 = tpu.memref_squeeze %dma_wait3A_124 : memref<1x128xi32, #tpu.memory_space<vmem>> -> memref<128xi32, #tpu.memory_space<vmem>>
        %dma_wait3A_126 = arith.constant 0 : i32
        %dma_wait3A_127 = arith.constant 0 : i32
        %dma_wait3A_128 = tpu.memref_slice %arg12[%dma_wait3A_126, %dma_wait3A_127] : memref<10016x128xf32, #tpu.memory_space<vmem_shared>> -> memref<10016x128xf32, #tpu.memory_space<vmem_shared>>
        tpu.wait_indirect_dma semaphore(%run_scoped3A : memref<!tpu.dma_semaphore, #tpu.memory_space<semaphore_mem>>) src(%arg11 : memref<128x128xf32, #tpu.memory_space<vmem>>) dst(%dma_wait3A_128 : memref<10016x128xf32, #tpu.memory_space<vmem_shared>>)
        tpu.yield
      }) : () -> ()
    }
    %scan3A_35 = arith.constant 20 : i32
    "tpu.region"() ({
      %run_scoped3A = tpu.sem_alloc : memref<!tpu.dma_semaphore, #tpu.memory_space<semaphore_mem>>
      %dma_start3A = arith.constant 40 : i32
      %dma_start3A_84 = arith.constant 0 : i32
      %dma_start3A_85 = tpu.memref_slice %arg4[%arg1, %dma_start3A, %dma_start3A_84] : memref<16x80x128xi32, #tpu.memory_space<hbm>> -> memref<1x40x128xi32, #tpu.memory_space<hbm>>
      %dma_start3A_86 = tpu.memref_squeeze %dma_start3A_85 : memref<1x40x128xi32, #tpu.memory_space<hbm>> -> memref<40x128xi32, #tpu.memory_space<hbm>>
      %dma_start3A_87 = arith.constant 40 : i32
      %dma_start3A_88 = arith.constant 0 : i32
      %dma_start3A_89 = tpu.memref_slice %arg4[%arg1, %dma_start3A_87, %dma_start3A_88] : memref<16x80x128xi32, #tpu.memory_space<hbm>> -> memref<1x40x128xi32, #tpu.memory_space<hbm>>
      %dma_start3A_90 = tpu.memref_squeeze %dma_start3A_89 : memref<1x40x128xi32, #tpu.memory_space<hbm>> -> memref<40x128xi32, #tpu.memory_space<hbm>>
      tpu.enqueue_dma source(%dma_start3A_90 : memref<40x128xi32, #tpu.memory_space<hbm>>) target(%arg8 : memref<40x128xi32, #tpu.memory_space<vmem>>) target_semaphore(%run_scoped3A : memref<!tpu.dma_semaphore, #tpu.memory_space<semaphore_mem>>)
      %dma_wait3A = arith.constant 40 : i32
      %dma_wait3A_91 = arith.constant 0 : i32
      %dma_wait3A_92 = tpu.memref_slice %arg4[%arg1, %dma_wait3A, %dma_wait3A_91] : memref<16x80x128xi32, #tpu.memory_space<hbm>> -> memref<1x40x128xi32, #tpu.memory_space<hbm>>
      %dma_wait3A_93 = tpu.memref_squeeze %dma_wait3A_92 : memref<1x40x128xi32, #tpu.memory_space<hbm>> -> memref<40x128xi32, #tpu.memory_space<hbm>>
      %dma_wait3A_94 = arith.constant 40 : i32
      %dma_wait3A_95 = arith.constant 0 : i32
      %dma_wait3A_96 = tpu.memref_slice %arg4[%arg1, %dma_wait3A_94, %dma_wait3A_95] : memref<16x80x128xi32, #tpu.memory_space<hbm>> -> memref<1x40x128xi32, #tpu.memory_space<hbm>>
      %dma_wait3A_97 = tpu.memref_squeeze %dma_wait3A_96 : memref<1x40x128xi32, #tpu.memory_space<hbm>> -> memref<40x128xi32, #tpu.memory_space<hbm>>
      tpu.wait_dma2 semaphore(%run_scoped3A : memref<!tpu.dma_semaphore, #tpu.memory_space<semaphore_mem>>) src(%dma_wait3A_97 : memref<40x128xi32, #tpu.memory_space<hbm>>) dst(%arg8 : memref<40x128xi32, #tpu.memory_space<vmem>>)
      tpu.yield
    }) : () -> ()
    "tpu.region"() ({
      %run_scoped3A = tpu.sem_alloc : memref<!tpu.dma_semaphore, #tpu.memory_space<semaphore_mem>>
      %dma_start3A = arith.constant 40 : i32
      %dma_start3A_84 = arith.constant 0 : i32
      %dma_start3A_85 = tpu.memref_slice %arg5[%arg1, %dma_start3A, %dma_start3A_84] : memref<16x80x128xi32, #tpu.memory_space<hbm>> -> memref<1x40x128xi32, #tpu.memory_space<hbm>>
      %dma_start3A_86 = tpu.memref_squeeze %dma_start3A_85 : memref<1x40x128xi32, #tpu.memory_space<hbm>> -> memref<40x128xi32, #tpu.memory_space<hbm>>
      %dma_start3A_87 = arith.constant 40 : i32
      %dma_start3A_88 = arith.constant 0 : i32
      %dma_start3A_89 = tpu.memref_slice %arg5[%arg1, %dma_start3A_87, %dma_start3A_88] : memref<16x80x128xi32, #tpu.memory_space<hbm>> -> memref<1x40x128xi32, #tpu.memory_space<hbm>>
      %dma_start3A_90 = tpu.memref_squeeze %dma_start3A_89 : memref<1x40x128xi32, #tpu.memory_space<hbm>> -> memref<40x128xi32, #tpu.memory_space<hbm>>
      tpu.enqueue_dma source(%dma_start3A_90 : memref<40x128xi32, #tpu.memory_space<hbm>>) target(%arg9 : memref<40x128xi32, #tpu.memory_space<vmem>>) target_semaphore(%run_scoped3A : memref<!tpu.dma_semaphore, #tpu.memory_space<semaphore_mem>>)
      %dma_wait3A = arith.constant 40 : i32
      %dma_wait3A_91 = arith.constant 0 : i32
      %dma_wait3A_92 = tpu.memref_slice %arg5[%arg1, %dma_wait3A, %dma_wait3A_91] : memref<16x80x128xi32, #tpu.memory_space<hbm>> -> memref<1x40x128xi32, #tpu.memory_space<hbm>>
      %dma_wait3A_93 = tpu.memref_squeeze %dma_wait3A_92 : memref<1x40x128xi32, #tpu.memory_space<hbm>> -> memref<40x128xi32, #tpu.memory_space<hbm>>
      %dma_wait3A_94 = arith.constant 40 : i32
      %dma_wait3A_95 = arith.constant 0 : i32
      %dma_wait3A_96 = tpu.memref_slice %arg5[%arg1, %dma_wait3A_94, %dma_wait3A_95] : memref<16x80x128xi32, #tpu.memory_space<hbm>> -> memref<1x40x128xi32, #tpu.memory_space<hbm>>
      %dma_wait3A_97 = tpu.memref_squeeze %dma_wait3A_96 : memref<1x40x128xi32, #tpu.memory_space<hbm>> -> memref<40x128xi32, #tpu.memory_space<hbm>>
      tpu.wait_dma2 semaphore(%run_scoped3A : memref<!tpu.dma_semaphore, #tpu.memory_space<semaphore_mem>>) src(%dma_wait3A_97 : memref<40x128xi32, #tpu.memory_space<hbm>>) dst(%arg9 : memref<40x128xi32, #tpu.memory_space<vmem>>)
      tpu.yield
    }) : () -> ()
    %eq3A_36 = arith.constant 0 : i32
    %eq3A_37 = arith.cmpi eq, %arg0, %eq3A_36 : i32
    %convert_element_type3A_38 = arith.extui %eq3A_37 : i1 to i32
    %cond3A_39 = arith.constant 0 : i32
    %cond3A_40 = arith.cmpi ne, %convert_element_type3A_38, %cond3A_39 : i32
    scf.if %cond3A_40 {
      %dma_start3A = arith.constant 0 : i32
      %dma_start3A_84 = arith.constant 0 : i32
      %dma_start3A_85 = tpu.memref_slice %arg8[%dma_start3A, %dma_start3A_84] : memref<40x128xi32, #tpu.memory_space<vmem>> -> memref<1x128xi32, #tpu.memory_space<vmem>>
      %dma_start3A_86 = tpu.memref_squeeze %dma_start3A_85 : memref<1x128xi32, #tpu.memory_space<vmem>> -> memref<128xi32, #tpu.memory_space<vmem>>
      %dma_start3A_87 = arith.constant 0 : i32
      %dma_start3A_88 = arith.constant 0 : i32
      %dma_start3A_89 = tpu.memref_slice %arg2[%dma_start3A_87, %dma_start3A_88] : memref<10000x128xf32, #tpu.memory_space<hbm>> -> memref<10000x128xf32, #tpu.memory_space<hbm>>
      tpu.enqueue_indirect_dma source(%dma_start3A_89 : memref<10000x128xf32, #tpu.memory_space<hbm>>) target(%arg10 : memref<128x128xf32, #tpu.memory_space<vmem>>) offsets(%dma_start3A_86 : memref<128xi32, #tpu.memory_space<vmem>>) semaphore(%arg13 : memref<!tpu.dma_semaphore, #tpu.memory_space<semaphore_mem>>)
    } else {
    }
    %eq3A_41 = arith.constant 1 : i32
    %eq3A_42 = arith.cmpi eq, %arg0, %eq3A_41 : i32
    %convert_element_type3A_43 = arith.extui %eq3A_42 : i1 to i32
    %cond3A_44 = arith.constant 0 : i32
    %cond3A_45 = arith.cmpi ne, %convert_element_type3A_43, %cond3A_44 : i32
    scf.if %cond3A_45 {
      %dma_start3A = arith.constant 0 : i32
      %dma_start3A_84 = arith.constant 0 : i32
      %dma_start3A_85 = tpu.memref_slice %arg8[%dma_start3A, %dma_start3A_84] : memref<40x128xi32, #tpu.memory_space<vmem>> -> memref<1x128xi32, #tpu.memory_space<vmem>>
      %dma_start3A_86 = tpu.memref_squeeze %dma_start3A_85 : memref<1x128xi32, #tpu.memory_space<vmem>> -> memref<128xi32, #tpu.memory_space<vmem>>
      %dma_start3A_87 = arith.constant 0 : i32
      %dma_start3A_88 = arith.constant 0 : i32
      %dma_start3A_89 = tpu.memref_slice %arg3[%dma_start3A_87, %dma_start3A_88] : memref<10000x128xf32, #tpu.memory_space<hbm>> -> memref<10000x128xf32, #tpu.memory_space<hbm>>
      tpu.enqueue_indirect_dma source(%dma_start3A_89 : memref<10000x128xf32, #tpu.memory_space<hbm>>) target(%arg10 : memref<128x128xf32, #tpu.memory_space<vmem>>) offsets(%dma_start3A_86 : memref<128xi32, #tpu.memory_space<vmem>>) semaphore(%arg13 : memref<!tpu.dma_semaphore, #tpu.memory_space<semaphore_mem>>)
    } else {
    }
    %scan3A_46 = arith.constant 0 : i32
    %scan3A_47 = arith.constant 0 : i32
    %scan3A_48 = arith.constant 20 : i32
    %scan3A_49 = arith.addi %scan3A_47, %scan3A_48 : i32
    %scan3A_50 = arith.constant 1 : i32
    scf.for %scan3A_84 = %scan3A_47 to %scan3A_49 step %scan3A_50  : i32 {
      %mul3A_85 = arith.constant 2 : i32
      %mul3A_86 = arith.muli %mul3A_85, %scan3A_84 : i32
      %add3A_87 = arith.constant 0 : i32
      %add3A_88 = arith.addi %mul3A_86, %add3A_87 : i32
      %add3A_89 = arith.constant 1 : i32
      %add3A_90 = arith.addi %add3A_88, %add3A_89 : i32
      %lt3A_91 = arith.constant 40 : i32
      %lt3A_92 = arith.cmpi slt, %add3A_90, %lt3A_91 : i32
      %convert_element_type3A_93 = arith.extui %lt3A_92 : i1 to i32
      %cond3A_94 = arith.constant 0 : i32
      %cond3A_95 = arith.cmpi ne, %convert_element_type3A_93, %cond3A_94 : i32
      scf.if %cond3A_95 {
        %add3A_118 = arith.constant 1 : i32
        %add3A_119 = arith.addi %add3A_88, %add3A_118 : i32
        %eq3A_120 = arith.constant 0 : i32
        %eq3A_121 = arith.cmpi eq, %arg0, %eq3A_120 : i32
        %convert_element_type3A_122 = arith.extui %eq3A_121 : i1 to i32
        %cond3A_123 = arith.constant 0 : i32
        %cond3A_124 = arith.cmpi ne, %convert_element_type3A_122, %cond3A_123 : i32
        scf.if %cond3A_124 {
          %dma_start3A = arith.constant 0 : i32
          %dma_start3A_130 = tpu.memref_slice %arg8[%add3A_119, %dma_start3A] : memref<40x128xi32, #tpu.memory_space<vmem>> -> memref<1x128xi32, #tpu.memory_space<vmem>>
          %dma_start3A_131 = tpu.memref_squeeze %dma_start3A_130 : memref<1x128xi32, #tpu.memory_space<vmem>> -> memref<128xi32, #tpu.memory_space<vmem>>
          %dma_start3A_132 = arith.constant 0 : i32
          %dma_start3A_133 = arith.constant 0 : i32
          %dma_start3A_134 = tpu.memref_slice %arg2[%dma_start3A_132, %dma_start3A_133] : memref<10000x128xf32, #tpu.memory_space<hbm>> -> memref<10000x128xf32, #tpu.memory_space<hbm>>
          tpu.enqueue_indirect_dma source(%dma_start3A_134 : memref<10000x128xf32, #tpu.memory_space<hbm>>) target(%arg11 : memref<128x128xf32, #tpu.memory_space<vmem>>) offsets(%dma_start3A_131 : memref<128xi32, #tpu.memory_space<vmem>>) semaphore(%arg14 : memref<!tpu.dma_semaphore, #tpu.memory_space<semaphore_mem>>)
        } else {
        }
        %eq3A_125 = arith.constant 1 : i32
        %eq3A_126 = arith.cmpi eq, %arg0, %eq3A_125 : i32
        %convert_element_type3A_127 = arith.extui %eq3A_126 : i1 to i32
        %cond3A_128 = arith.constant 0 : i32
        %cond3A_129 = arith.cmpi ne, %convert_element_type3A_127, %cond3A_128 : i32
        scf.if %cond3A_129 {
          %dma_start3A = arith.constant 0 : i32
          %dma_start3A_130 = tpu.memref_slice %arg8[%add3A_119, %dma_start3A] : memref<40x128xi32, #tpu.memory_space<vmem>> -> memref<1x128xi32, #tpu.memory_space<vmem>>
          %dma_start3A_131 = tpu.memref_squeeze %dma_start3A_130 : memref<1x128xi32, #tpu.memory_space<vmem>> -> memref<128xi32, #tpu.memory_space<vmem>>
          %dma_start3A_132 = arith.constant 0 : i32
          %dma_start3A_133 = arith.constant 0 : i32
          %dma_start3A_134 = tpu.memref_slice %arg3[%dma_start3A_132, %dma_start3A_133] : memref<10000x128xf32, #tpu.memory_space<hbm>> -> memref<10000x128xf32, #tpu.memory_space<hbm>>
          tpu.enqueue_indirect_dma source(%dma_start3A_134 : memref<10000x128xf32, #tpu.memory_space<hbm>>) target(%arg11 : memref<128x128xf32, #tpu.memory_space<vmem>>) offsets(%dma_start3A_131 : memref<128xi32, #tpu.memory_space<vmem>>) semaphore(%arg14 : memref<!tpu.dma_semaphore, #tpu.memory_space<semaphore_mem>>)
        } else {
        }
      } else {
      }
      %dma_wait3A = arith.constant 0 : i32
      %dma_wait3A_96 = arith.constant 0 : i32
      %dma_wait3A_97 = tpu.memref_slice %arg2[%dma_wait3A, %dma_wait3A_96] : memref<10000x128xf32, #tpu.memory_space<hbm>> -> memref<128x128xf32, #tpu.memory_space<hbm>>
      %dma_wait3A_98 = arith.constant 0 : i32
      %dma_wait3A_99 = arith.constant 0 : i32
      %dma_wait3A_100 = tpu.memref_slice %arg2[%dma_wait3A_98, %dma_wait3A_99] : memref<10000x128xf32, #tpu.memory_space<hbm>> -> memref<128x128xf32, #tpu.memory_space<hbm>>
      tpu.wait_dma2 semaphore(%arg13 : memref<!tpu.dma_semaphore, #tpu.memory_space<semaphore_mem>>) src(%dma_wait3A_100 : memref<128x128xf32, #tpu.memory_space<hbm>>) dst(%arg10 : memref<128x128xf32, #tpu.memory_space<vmem>>)
      "tpu.region"() ({
        %run_scoped3A = tpu.sem_alloc : memref<!tpu.dma_semaphore, #tpu.memory_space<semaphore_mem>>
        %dma_start3A = arith.constant 0 : i32
        %dma_start3A_118 = tpu.memref_slice %arg9[%add3A_88, %dma_start3A] : memref<40x128xi32, #tpu.memory_space<vmem>> -> memref<1x128xi32, #tpu.memory_space<vmem>>
        %dma_start3A_119 = tpu.memref_squeeze %dma_start3A_118 : memref<1x128xi32, #tpu.memory_space<vmem>> -> memref<128xi32, #tpu.memory_space<vmem>>
        %dma_start3A_120 = arith.constant 0 : i32
        %dma_start3A_121 = arith.constant 0 : i32
        %dma_start3A_122 = tpu.memref_slice %arg12[%dma_start3A_120, %dma_start3A_121] : memref<10016x128xf32, #tpu.memory_space<vmem_shared>> -> memref<10016x128xf32, #tpu.memory_space<vmem_shared>>
        tpu.enqueue_indirect_dma source(%arg10 : memref<128x128xf32, #tpu.memory_space<vmem>>) target(%dma_start3A_122 : memref<10016x128xf32, #tpu.memory_space<vmem_shared>>) offsets(%dma_start3A_119 : memref<128xi32, #tpu.memory_space<vmem>>) semaphore(%run_scoped3A : memref<!tpu.dma_semaphore, #tpu.memory_space<semaphore_mem>>) {add = true}
        %dma_wait3A_123 = arith.constant 0 : i32
        %dma_wait3A_124 = tpu.memref_slice %arg9[%add3A_88, %dma_wait3A_123] : memref<40x128xi32, #tpu.memory_space<vmem>> -> memref<1x128xi32, #tpu.memory_space<vmem>>
        %dma_wait3A_125 = tpu.memref_squeeze %dma_wait3A_124 : memref<1x128xi32, #tpu.memory_space<vmem>> -> memref<128xi32, #tpu.memory_space<vmem>>
        %dma_wait3A_126 = arith.constant 0 : i32
        %dma_wait3A_127 = arith.constant 0 : i32
        %dma_wait3A_128 = tpu.memref_slice %arg12[%dma_wait3A_126, %dma_wait3A_127] : memref<10016x128xf32, #tpu.memory_space<vmem_shared>> -> memref<10016x128xf32, #tpu.memory_space<vmem_shared>>
        tpu.wait_indirect_dma semaphore(%run_scoped3A : memref<!tpu.dma_semaphore, #tpu.memory_space<semaphore_mem>>) src(%arg10 : memref<128x128xf32, #tpu.memory_space<vmem>>) dst(%dma_wait3A_128 : memref<10016x128xf32, #tpu.memory_space<vmem_shared>>)
        tpu.yield
      }) : () -> ()
      %mul3A_101 = arith.constant 2 : i32
      %mul3A_102 = arith.muli %mul3A_101, %scan3A_84 : i32
      %add3A_103 = arith.constant 1 : i32
      %add3A_104 = arith.addi %mul3A_102, %add3A_103 : i32
      %add3A_105 = arith.constant 1 : i32
      %add3A_106 = arith.addi %add3A_104, %add3A_105 : i32
      %lt3A_107 = arith.constant 40 : i32
      %lt3A_108 = arith.cmpi slt, %add3A_106, %lt3A_107 : i32
      %convert_element_type3A_109 = arith.extui %lt3A_108 : i1 to i32
      %cond3A_110 = arith.constant 0 : i32
      %cond3A_111 = arith.cmpi ne, %convert_element_type3A_109, %cond3A_110 : i32
      scf.if %cond3A_111 {
        %add3A_118 = arith.constant 1 : i32
        %add3A_119 = arith.addi %add3A_104, %add3A_118 : i32
        %eq3A_120 = arith.constant 0 : i32
        %eq3A_121 = arith.cmpi eq, %arg0, %eq3A_120 : i32
        %convert_element_type3A_122 = arith.extui %eq3A_121 : i1 to i32
        %cond3A_123 = arith.constant 0 : i32
        %cond3A_124 = arith.cmpi ne, %convert_element_type3A_122, %cond3A_123 : i32
        scf.if %cond3A_124 {
          %dma_start3A = arith.constant 0 : i32
          %dma_start3A_130 = tpu.memref_slice %arg8[%add3A_119, %dma_start3A] : memref<40x128xi32, #tpu.memory_space<vmem>> -> memref<1x128xi32, #tpu.memory_space<vmem>>
          %dma_start3A_131 = tpu.memref_squeeze %dma_start3A_130 : memref<1x128xi32, #tpu.memory_space<vmem>> -> memref<128xi32, #tpu.memory_space<vmem>>
          %dma_start3A_132 = arith.constant 0 : i32
          %dma_start3A_133 = arith.constant 0 : i32
          %dma_start3A_134 = tpu.memref_slice %arg2[%dma_start3A_132, %dma_start3A_133] : memref<10000x128xf32, #tpu.memory_space<hbm>> -> memref<10000x128xf32, #tpu.memory_space<hbm>>
          tpu.enqueue_indirect_dma source(%dma_start3A_134 : memref<10000x128xf32, #tpu.memory_space<hbm>>) target(%arg10 : memref<128x128xf32, #tpu.memory_space<vmem>>) offsets(%dma_start3A_131 : memref<128xi32, #tpu.memory_space<vmem>>) semaphore(%arg13 : memref<!tpu.dma_semaphore, #tpu.memory_space<semaphore_mem>>)
        } else {
        }
        %eq3A_125 = arith.constant 1 : i32
        %eq3A_126 = arith.cmpi eq, %arg0, %eq3A_125 : i32
        %convert_element_type3A_127 = arith.extui %eq3A_126 : i1 to i32
        %cond3A_128 = arith.constant 0 : i32
        %cond3A_129 = arith.cmpi ne, %convert_element_type3A_127, %cond3A_128 : i32
        scf.if %cond3A_129 {
          %dma_start3A = arith.constant 0 : i32
          %dma_start3A_130 = tpu.memref_slice %arg8[%add3A_119, %dma_start3A] : memref<40x128xi32, #tpu.memory_space<vmem>> -> memref<1x128xi32, #tpu.memory_space<vmem>>
          %dma_start3A_131 = tpu.memref_squeeze %dma_start3A_130 : memref<1x128xi32, #tpu.memory_space<vmem>> -> memref<128xi32, #tpu.memory_space<vmem>>
          %dma_start3A_132 = arith.constant 0 : i32
          %dma_start3A_133 = arith.constant 0 : i32
          %dma_start3A_134 = tpu.memref_slice %arg3[%dma_start3A_132, %dma_start3A_133] : memref<10000x128xf32, #tpu.memory_space<hbm>> -> memref<10000x128xf32, #tpu.memory_space<hbm>>
          tpu.enqueue_indirect_dma source(%dma_start3A_134 : memref<10000x128xf32, #tpu.memory_space<hbm>>) target(%arg10 : memref<128x128xf32, #tpu.memory_space<vmem>>) offsets(%dma_start3A_131 : memref<128xi32, #tpu.memory_space<vmem>>) semaphore(%arg13 : memref<!tpu.dma_semaphore, #tpu.memory_space<semaphore_mem>>)
        } else {
        }
      } else {
      }
      %dma_wait3A_112 = arith.constant 0 : i32
      %dma_wait3A_113 = arith.constant 0 : i32
      %dma_wait3A_114 = tpu.memref_slice %arg2[%dma_wait3A_112, %dma_wait3A_113] : memref<10000x128xf32, #tpu.memory_space<hbm>> -> memref<128x128xf32, #tpu.memory_space<hbm>>
      %dma_wait3A_115 = arith.constant 0 : i32
      %dma_wait3A_116 = arith.constant 0 : i32
      %dma_wait3A_117 = tpu.memref_slice %arg2[%dma_wait3A_115, %dma_wait3A_116] : memref<10000x128xf32, #tpu.memory_space<hbm>> -> memref<128x128xf32, #tpu.memory_space<hbm>>
      tpu.wait_dma2 semaphore(%arg14 : memref<!tpu.dma_semaphore, #tpu.memory_space<semaphore_mem>>) src(%dma_wait3A_117 : memref<128x128xf32, #tpu.memory_space<hbm>>) dst(%arg11 : memref<128x128xf32, #tpu.memory_space<vmem>>)
      "tpu.region"() ({
        %run_scoped3A = tpu.sem_alloc : memref<!tpu.dma_semaphore, #tpu.memory_space<semaphore_mem>>
        %dma_start3A = arith.constant 0 : i32
        %dma_start3A_118 = tpu.memref_slice %arg9[%add3A_104, %dma_start3A] : memref<40x128xi32, #tpu.memory_space<vmem>> -> memref<1x128xi32, #tpu.memory_space<vmem>>
        %dma_start3A_119 = tpu.memref_squeeze %dma_start3A_118 : memref<1x128xi32, #tpu.memory_space<vmem>> -> memref<128xi32, #tpu.memory_space<vmem>>
        %dma_start3A_120 = arith.constant 0 : i32
        %dma_start3A_121 = arith.constant 0 : i32
        %dma_start3A_122 = tpu.memref_slice %arg12[%dma_start3A_120, %dma_start3A_121] : memref<10016x128xf32, #tpu.memory_space<vmem_shared>> -> memref<10016x128xf32, #tpu.memory_space<vmem_shared>>
        tpu.enqueue_indirect_dma source(%arg11 : memref<128x128xf32, #tpu.memory_space<vmem>>) target(%dma_start3A_122 : memref<10016x128xf32, #tpu.memory_space<vmem_shared>>) offsets(%dma_start3A_119 : memref<128xi32, #tpu.memory_space<vmem>>) semaphore(%run_scoped3A : memref<!tpu.dma_semaphore, #tpu.memory_space<semaphore_mem>>) {add = true}
        %dma_wait3A_123 = arith.constant 0 : i32
        %dma_wait3A_124 = tpu.memref_slice %arg9[%add3A_104, %dma_wait3A_123] : memref<40x128xi32, #tpu.memory_space<vmem>> -> memref<1x128xi32, #tpu.memory_space<vmem>>
        %dma_wait3A_125 = tpu.memref_squeeze %dma_wait3A_124 : memref<1x128xi32, #tpu.memory_space<vmem>> -> memref<128xi32, #tpu.memory_space<vmem>>
        %dma_wait3A_126 = arith.constant 0 : i32
        %dma_wait3A_127 = arith.constant 0 : i32
        %dma_wait3A_128 = tpu.memref_slice %arg12[%dma_wait3A_126, %dma_wait3A_127] : memref<10016x128xf32, #tpu.memory_space<vmem_shared>> -> memref<10016x128xf32, #tpu.memory_space<vmem_shared>>
        tpu.wait_indirect_dma semaphore(%run_scoped3A : memref<!tpu.dma_semaphore, #tpu.memory_space<semaphore_mem>>) src(%arg11 : memref<128x128xf32, #tpu.memory_space<vmem>>) dst(%dma_wait3A_128 : memref<10016x128xf32, #tpu.memory_space<vmem_shared>>)
        tpu.yield
      }) : () -> ()
    }
    %scan3A_51 = arith.constant 20 : i32
    %barrier3A_52 = arith.constant 0 : index
    tpu.barrier barrier_id(%barrier3A_52)
    %eq3A_53 = arith.constant 0 : i32
    %eq3A_54 = arith.cmpi eq, %arg0, %eq3A_53 : i32
    %lt3A_55 = arith.constant 15 : i32
    %lt3A_56 = arith.cmpi slt, %arg1, %lt3A_55 : i32
    %and3A = arith.andi %eq3A_54, %lt3A_56 : i1
    %convert_element_type3A_57 = arith.extui %and3A : i1 to i32
    %cond3A_58 = arith.constant 0 : i32
    %cond3A_59 = arith.cmpi ne, %convert_element_type3A_57, %cond3A_58 : i32
    scf.if %cond3A_59 {
      "tpu.region"() ({
        %run_scoped3A = tpu.sem_alloc : memref<!tpu.dma_semaphore, #tpu.memory_space<semaphore_mem>>
        %dma_start3A = arith.constant 0 : i32
        %dma_start3A_84 = tpu.memref_slice %arg6[%mul3A_0, %dma_start3A] : memref<10000x128xf32, #tpu.memory_space<hbm>> -> memref<624x128xf32, #tpu.memory_space<hbm>>
        %dma_start3A_85 = arith.constant 0 : i32
        %dma_start3A_86 = tpu.memref_slice %arg12[%mul3A_0, %dma_start3A_85] : memref<10016x128xf32, #tpu.memory_space<vmem_shared>> -> memref<624x128xf32, #tpu.memory_space<vmem_shared>>
        tpu.enqueue_dma source(%dma_start3A_86 : memref<624x128xf32, #tpu.memory_space<vmem_shared>>) target(%dma_start3A_84 : memref<624x128xf32, #tpu.memory_space<hbm>>) target_semaphore(%run_scoped3A : memref<!tpu.dma_semaphore, #tpu.memory_space<semaphore_mem>>)
        %dma_wait3A = arith.constant 0 : i32
        %dma_wait3A_87 = tpu.memref_slice %arg6[%mul3A_0, %dma_wait3A] : memref<10000x128xf32, #tpu.memory_space<hbm>> -> memref<624x128xf32, #tpu.memory_space<hbm>>
        %dma_wait3A_88 = arith.constant 0 : i32
        %dma_wait3A_89 = tpu.memref_slice %arg12[%mul3A_0, %dma_wait3A_88] : memref<10016x128xf32, #tpu.memory_space<vmem_shared>> -> memref<624x128xf32, #tpu.memory_space<vmem_shared>>
        tpu.wait_dma2 semaphore(%run_scoped3A : memref<!tpu.dma_semaphore, #tpu.memory_space<semaphore_mem>>) src(%dma_wait3A_89 : memref<624x128xf32, #tpu.memory_space<vmem_shared>>) dst(%dma_wait3A_87 : memref<624x128xf32, #tpu.memory_space<hbm>>)
        tpu.yield
      }) : () -> ()
    } else {
    }
    %eq3A_60 = arith.constant 0 : i32
    %eq3A_61 = arith.cmpi eq, %arg0, %eq3A_60 : i32
    %eq3A_62 = arith.constant 15 : i32
    %eq3A_63 = arith.cmpi eq, %arg1, %eq3A_62 : i32
    %and3A_64 = arith.andi %eq3A_61, %eq3A_63 : i1
    %convert_element_type3A_65 = arith.extui %and3A_64 : i1 to i32
    %cond3A_66 = arith.constant 0 : i32
    %cond3A_67 = arith.cmpi ne, %convert_element_type3A_65, %cond3A_66 : i32
    scf.if %cond3A_67 {
      "tpu.region"() ({
        %run_scoped3A = tpu.sem_alloc : memref<!tpu.dma_semaphore, #tpu.memory_space<semaphore_mem>>
        %dma_start3A = arith.constant 0 : i32
        %dma_start3A_84 = tpu.memref_slice %arg6[%mul3A_0, %dma_start3A] : memref<10000x128xf32, #tpu.memory_space<hbm>> -> memref<640x128xf32, #tpu.memory_space<hbm>>
        %dma_start3A_85 = arith.constant 0 : i32
        %dma_start3A_86 = tpu.memref_slice %arg12[%mul3A_0, %dma_start3A_85] : memref<10016x128xf32, #tpu.memory_space<vmem_shared>> -> memref<640x128xf32, #tpu.memory_space<vmem_shared>>
        tpu.enqueue_dma source(%dma_start3A_86 : memref<640x128xf32, #tpu.memory_space<vmem_shared>>) target(%dma_start3A_84 : memref<640x128xf32, #tpu.memory_space<hbm>>) target_semaphore(%run_scoped3A : memref<!tpu.dma_semaphore, #tpu.memory_space<semaphore_mem>>)
        %dma_wait3A = arith.constant 0 : i32
        %dma_wait3A_87 = tpu.memref_slice %arg6[%mul3A_0, %dma_wait3A] : memref<10000x128xf32, #tpu.memory_space<hbm>> -> memref<640x128xf32, #tpu.memory_space<hbm>>
        %dma_wait3A_88 = arith.constant 0 : i32
        %dma_wait3A_89 = tpu.memref_slice %arg12[%mul3A_0, %dma_wait3A_88] : memref<10016x128xf32, #tpu.memory_space<vmem_shared>> -> memref<640x128xf32, #tpu.memory_space<vmem_shared>>
        tpu.wait_dma2 semaphore(%run_scoped3A : memref<!tpu.dma_semaphore, #tpu.memory_space<semaphore_mem>>) src(%dma_wait3A_89 : memref<640x128xf32, #tpu.memory_space<vmem_shared>>) dst(%dma_wait3A_87 : memref<640x128xf32, #tpu.memory_space<hbm>>)
        tpu.yield
      }) : () -> ()
    } else {
    }
    %eq3A_68 = arith.constant 1 : i32
    %eq3A_69 = arith.cmpi eq, %arg0, %eq3A_68 : i32
    %lt3A_70 = arith.constant 15 : i32
    %lt3A_71 = arith.cmpi slt, %arg1, %lt3A_70 : i32
    %and3A_72 = arith.andi %eq3A_69, %lt3A_71 : i1
    %convert_element_type3A_73 = arith.extui %and3A_72 : i1 to i32
    %cond3A_74 = arith.constant 0 : i32
    %cond3A_75 = arith.cmpi ne, %convert_element_type3A_73, %cond3A_74 : i32
    scf.if %cond3A_75 {
      "tpu.region"() ({
        %run_scoped3A = tpu.sem_alloc : memref<!tpu.dma_semaphore, #tpu.memory_space<semaphore_mem>>
        %dma_start3A = arith.constant 0 : i32
        %dma_start3A_84 = tpu.memref_slice %arg7[%mul3A_0, %dma_start3A] : memref<10000x128xf32, #tpu.memory_space<hbm>> -> memref<624x128xf32, #tpu.memory_space<hbm>>
        %dma_start3A_85 = arith.constant 0 : i32
        %dma_start3A_86 = tpu.memref_slice %arg12[%mul3A_0, %dma_start3A_85] : memref<10016x128xf32, #tpu.memory_space<vmem_shared>> -> memref<624x128xf32, #tpu.memory_space<vmem_shared>>
        tpu.enqueue_dma source(%dma_start3A_86 : memref<624x128xf32, #tpu.memory_space<vmem_shared>>) target(%dma_start3A_84 : memref<624x128xf32, #tpu.memory_space<hbm>>) target_semaphore(%run_scoped3A : memref<!tpu.dma_semaphore, #tpu.memory_space<semaphore_mem>>)
        %dma_wait3A = arith.constant 0 : i32
        %dma_wait3A_87 = tpu.memref_slice %arg7[%mul3A_0, %dma_wait3A] : memref<10000x128xf32, #tpu.memory_space<hbm>> -> memref<624x128xf32, #tpu.memory_space<hbm>>
        %dma_wait3A_88 = arith.constant 0 : i32
        %dma_wait3A_89 = tpu.memref_slice %arg12[%mul3A_0, %dma_wait3A_88] : memref<10016x128xf32, #tpu.memory_space<vmem_shared>> -> memref<624x128xf32, #tpu.memory_space<vmem_shared>>
        tpu.wait_dma2 semaphore(%run_scoped3A : memref<!tpu.dma_semaphore, #tpu.memory_space<semaphore_mem>>) src(%dma_wait3A_89 : memref<624x128xf32, #tpu.memory_space<vmem_shared>>) dst(%dma_wait3A_87 : memref<624x128xf32, #tpu.memory_space<hbm>>)
        tpu.yield
      }) : () -> ()
    } else {
    }
    %eq3A_76 = arith.constant 1 : i32
    %eq3A_77 = arith.cmpi eq, %arg0, %eq3A_76 : i32
    %eq3A_78 = arith.constant 15 : i32
    %eq3A_79 = arith.cmpi eq, %arg1, %eq3A_78 : i32
    %and3A_80 = arith.andi %eq3A_77, %eq3A_79 : i1
    %convert_element_type3A_81 = arith.extui %and3A_80 : i1 to i32
    %cond3A_82 = arith.constant 0 : i32
    %cond3A_83 = arith.cmpi ne, %convert_element_type3A_81, %cond3A_82 : i32
    scf.if %cond3A_83 {
      "tpu.region"() ({
        %run_scoped3A = tpu.sem_alloc : memref<!tpu.dma_semaphore, #tpu.memory_space<semaphore_mem>>
        %dma_start3A = arith.constant 0 : i32
        %dma_start3A_84 = tpu.memref_slice %arg7[%mul3A_0, %dma_start3A] : memref<10000x128xf32, #tpu.memory_space<hbm>> -> memref<640x128xf32, #tpu.memory_space<hbm>>
        %dma_start3A_85 = arith.constant 0 : i32
        %dma_start3A_86 = tpu.memref_slice %arg12[%mul3A_0, %dma_start3A_85] : memref<10016x128xf32, #tpu.memory_space<vmem_shared>> -> memref<640x128xf32, #tpu.memory_space<vmem_shared>>
        tpu.enqueue_dma source(%dma_start3A_86 : memref<640x128xf32, #tpu.memory_space<vmem_shared>>) target(%dma_start3A_84 : memref<640x128xf32, #tpu.memory_space<hbm>>) target_semaphore(%run_scoped3A : memref<!tpu.dma_semaphore, #tpu.memory_space<semaphore_mem>>)
        %dma_wait3A = arith.constant 0 : i32
        %dma_wait3A_87 = tpu.memref_slice %arg7[%mul3A_0, %dma_wait3A] : memref<10000x128xf32, #tpu.memory_space<hbm>> -> memref<640x128xf32, #tpu.memory_space<hbm>>
        %dma_wait3A_88 = arith.constant 0 : i32
        %dma_wait3A_89 = tpu.memref_slice %arg12[%mul3A_0, %dma_wait3A_88] : memref<10016x128xf32, #tpu.memory_space<vmem_shared>> -> memref<640x128xf32, #tpu.memory_space<vmem_shared>>
        tpu.wait_dma2 semaphore(%run_scoped3A : memref<!tpu.dma_semaphore, #tpu.memory_space<semaphore_mem>>) src(%dma_wait3A_89 : memref<640x128xf32, #tpu.memory_space<vmem_shared>>) dst(%dma_wait3A_87 : memref<640x128xf32, #tpu.memory_space<hbm>>)
        tpu.yield
      }) : () -> ()
    } else {
    }
    return
  }
}

module attributes {stable_mosaic.version = 14 : i64} {
  func.func @_mm_body(%arg0: i32, %arg1: memref<2000x512xf32, #tpu.memory_space<vmem>>, %arg2: memref<256x512xf32, #tpu.memory_space<vmem>>, %arg3: memref<2000x128xf32, #tpu.memory_space<vmem>>, %arg4: memref<2000x128xf32, #tpu.memory_space<vmem>>) attributes {dimension_semantics = [#tpu.dimension_semantics<arbitrary>], iteration_bounds = array<i64: 5>, scalar_prefetch = 0 : i64, scratch_operands = 0 : i64, tpu.core_type = #tpu.core_type<tc>, window_params = [{transform_indices = @transform_0, window_bounds = array<i64: 2000, 512>}, {pipeline_mode = #tpu.pipeline_mode<synchronous>, transform_indices = @transform_1, window_bounds = array<i64: 256, 512>}, {transform_indices = @transform_2, window_bounds = array<i64: 2000, 128>}, {transform_indices = @transform_3, window_bounds = array<i64: 2000, 128>}]} {
    %get3A = arith.constant 0 : index
    %get3A_0 = arith.constant 0 : index
    %get3A_1 = vector.load %arg1[%get3A, %get3A_0] : memref<2000x512xf32, #tpu.memory_space<vmem>>, vector<2000x512xf32>
    %get3A_2 = arith.constant 0 : index
    %get3A_3 = arith.constant 0 : index
    %get3A_4 = vector.load %arg2[%get3A_2, %get3A_3] : memref<256x512xf32, #tpu.memory_space<vmem>>, vector<128x512xf32>
    %dot_general3A = arith.constant dense<0.000000e+00> : vector<2000x128xf32>
    %dot_general3A_5 = tpu.matmul %get3A_1, %get3A_4, %dot_general3A {dimension_numbers = #tpu.dot_dimension_numbers<[1], [1], [0], [0], [0, 0, 1, 0], [], []>, transpose_lhs_hint = false} : vector<2000x512xf32>, vector<128x512xf32>, vector<2000x128xf32> -> vector<2000x128xf32>
    %swap3A = arith.constant 0 : index
    %swap3A_6 = arith.constant 0 : index
    %swap3A_7 = vector.load %arg3[%swap3A, %swap3A_6] : memref<2000x128xf32, #tpu.memory_space<vmem>>, vector<2000x128xf32>
    tpu.vector_store %arg3[%swap3A, %swap3A_6], %dot_general3A_5 {strides = array<i32>} : memref<2000x128xf32, #tpu.memory_space<vmem>>, vector<2000x128xf32>,
    %get3A_8 = arith.constant 0 : index
    %get3A_9 = arith.constant 0 : index
    %get3A_10 = vector.load %arg1[%get3A_8, %get3A_9] : memref<2000x512xf32, #tpu.memory_space<vmem>>, vector<2000x512xf32>
    %get3A_11 = arith.constant 128 : index
    %get3A_12 = arith.constant 0 : index
    %get3A_13 = vector.load %arg2[%get3A_11, %get3A_12] : memref<256x512xf32, #tpu.memory_space<vmem>>, vector<128x512xf32>
    %dot_general3A_14 = arith.constant dense<0.000000e+00> : vector<2000x128xf32>
    %dot_general3A_15 = tpu.matmul %get3A_10, %get3A_13, %dot_general3A_14 {dimension_numbers = #tpu.dot_dimension_numbers<[1], [1], [0], [0], [0, 0, 1, 0], [], []>, transpose_lhs_hint = false} : vector<2000x512xf32>, vector<128x512xf32>, vector<2000x128xf32> -> vector<2000x128xf32>
    %swap3A_16 = arith.constant 0 : index
    %swap3A_17 = arith.constant 0 : index
    %swap3A_18 = vector.load %arg4[%swap3A_16, %swap3A_17] : memref<2000x128xf32, #tpu.memory_space<vmem>>, vector<2000x128xf32>
    tpu.vector_store %arg4[%swap3A_16, %swap3A_17], %dot_general3A_15 {strides = array<i32>} : memref<2000x128xf32, #tpu.memory_space<vmem>>, vector<2000x128xf32>,
    return
  }
  func.func @transform_0(%arg0: i32) -> (i32, i32) {
    %c0_i32 = arith.constant 0 : i32
    %c0_i32_0 = arith.constant 0 : i32
    return %arg0, %c0_i32 : i32, i32
  }
  func.func @transform_1(%arg0: i32) -> (i32, i32) {
    %c0_i32 = arith.constant 0 : i32
    %c0_i32_0 = arith.constant 0 : i32
    %c0_i32_1 = arith.constant 0 : i32
    return %c0_i32, %c0_i32_0 : i32, i32
  }
  func.func @transform_2(%arg0: i32) -> (i32, i32) {
    %c0_i32 = arith.constant 0 : i32
    %c0_i32_0 = arith.constant 0 : i32
    return %arg0, %c0_i32 : i32, i32
  }
  func.func @transform_3(%arg0: i32) -> (i32, i32) {
    %c0_i32 = arith.constant 0 : i32
    %c0_i32_0 = arith.constant 0 : i32
    return %arg0, %c0_i32 : i32, i32
  }
}

</mosaic_0001>

<sc_bundles>
// kernel: kernel.4.cloned.1.call-start
scs
__scs_entry_jumppad:
0x0: {  	(pc) =	sbr.rel $0x88, $3  }
0x1: {  	(tag) =	ssettag $0x0;
	lr =	simm.s32 $0x1  }
0x2: {  	[smem:$0x3F9E] =	sst lr;
	_ =	strace $0xD0000000  }
0x3: {  	_ = 	snop  }
0x4: {  	_ = 	snop  }
0x5: {  	_ = 	snop  }
0x6: {  	_ = 	snop  }
0x7: {  	_ = 	snop  }
__scs_overlays_trampoline_lowered:
0x8: {  	[smem:$0x3FAD] =	sst s0  }
0x9: {  	[smem:$0x3FAE] =	sst s1  }
0xa: {  	[smem:$0x3FAF] =	sst s2  }
0xb: {  	[smem:$0x3FB0] =	sst s3  }
0xc: {  	[smem:$0x3FB1] =	sst s4  }
0xd: {  	[smem:$0x3FB2] =	sst s5  }
0xe: {  	[smem:$0x3FB3] =	sst s6  }
0xf: {  	[smem:$0x3FB4] =	sst s7  }
0x10: {  	[smem:$0x3FB5] =	sst s8  }
0x11: {  	[smem:$0x3FB6] =	sst s9;
	s0 =	simm.s32 @!p0 $0x0  }
0x12: {  	s1 =	sld [smem:$0x3F9C];
	s0 =	simm.s32 @p0 $0x1  }
0x13: {  	[smem:$0x3FB7] =	sst s0;
	s0 =	simm.s32 @!p1 $0x0  }
0x14: {  	s2 =	sld [smem:$0x3F9B];
	s0 =	simm.s32 @p1 $0x1  }
0x15: {  	[smem:$0x3FB8] =	sst s0;
	s0 =	simm.s32 @!p2 $0x0  }
0x16: {  	s3 =	sld [smem:$0x3FDB];
	s0 =	simm.s32 @p2 $0x1  }
0x17: {  	s4 =	simm.s32 $0x1BF5;
	[smem:$0x3FBA] =	sst s0  }
0x18: {  	s0 =	sld [smem:$0x3F9D];
	_ =	swait.ge [sflag:s4], $0x0  }
0x19: {  	s7 =	sld [smem:$0x3F9E]  }
0x1a: {  	s8 =	sadd.s32 $0xFFFFE003, lr  }
0x1b: {  	s9 =	sadd.s32 $0xFFFFFEF7, lr;
	s5 =	simm.s32 $0xFFFFFFFF;
	p2 =	slt.u32 s8, $0xFFFFF086  }
0x1c: {  	p1 =	slt.u32 s9, $0xF7A;
	s5 =	simm.s32 @!p2 $0x0  }
0x1d: {  	s5 =	simm.s32 @p1 $0x1;
	p0 =	seq.s32 s7, s2  }
0x1e: {  	s7 =	smul.u32 @!p0 $0xF7A, s2;
	p2 =	seq.s32 @!p0 s5, $0x0  }
0x1f: {  	s9 =	smul.u32 $0xF7A, s1;
	s8 =	simm.s32 @!p0 $0x1BF5;
	p2 =	por !p2, p0  }
0x20: {  	[sflag:s8] =	ssyncset.s32 @!p0 $0xFFFFF086;
	s6 =	sadd.s32 @!p0 s3, s7;
	s7 =	simm.s32 @!p0 $0x108  }
0x21: {  	s3 =	sadd.s32 s3, s9;
	s6 =	sadd.s32 @!p0 $0x88, s6;
	s7 =	simm.s32 @p2 $0x1082  }
0x22: {  	[simem:s7], [sflag:s8] =	dma.local @!p0 [hbm:s6], $0xF7A  }
0x23: {  	s9 =	sor.u32 $0xD0000000, s2;
	s6 =	simm.s32 $0x108;
	_ =	swait.ge @!p0 [sflag:s8], $0x0  }
0x24: {  	s3 =	sadd.s32 $0x88, s3;
	s6 =	simm.s32 @!p1 $0x1082;
	[sflag:s4] =	ssyncset.s32 $0xFFFFF086  }
0x25: {  	[simem:s6], [sflag:s4] =	dma.local [hbm:s3], $0xF7A  }
0x26: {  	[smem:$0x3F9E] =	sst s1;
	(tag) =	ssettag s2;
	_ =	strace s9  }
0x27: {  	s1 =	sld [smem:$0x3FAE]  }
0x28: {  	s2 =	sld [smem:$0x3FAF]  }
0x29: {  	s4 =	sld [smem:$0x3FB1]  }
0x2a: {  	p0 =	seq.s32 s5, $0x0;
	s5 =	sld [smem:$0x3FB2]  }
0x2b: {  	s6 =	sld [smem:$0x3FB3]  }
0x2c: {  	s7 =	sld [smem:$0x3FB4]  }
0x2d: {  	s3 =	simm.s32 $0x108;
	s8 =	sld [smem:$0x3FB5]  }
0x2e: {  	s3 =	simm.s32 @!p0 $0x1082;
	s9 =	sld [smem:$0x3FB6]  }
0x2f: {  	lr =	sadd.s32 s0, s3;
	s0 =	sld [smem:$0x3FAD]  }
0x30: {  	s3 =	sld [smem:$0x3FB0]  }
0x31: {  	[smem:$0x3FB9] =	sst s10  }
0x32: {  	s10 =	sld [smem:$0x3FB7];
	_ =	sdelay $0x3  }
0x33: {  	p0 =	seq.s32 s10, $0x1;
	s10 =	sld [smem:$0x3FB9];
	_ =	sdelay $0x3  }
0x34: {  	[smem:$0x3FB9] =	sst s10  }
0x35: {  	s10 =	sld [smem:$0x3FB8];
	_ =	sdelay $0x3  }
0x36: {  	p1 =	seq.s32 s10, $0x1;
	s10 =	sld [smem:$0x3FB9];
	_ =	sdelay $0x3  }
0x37: {  	[smem:$0x3FB9] =	sst s10  }
0x38: {  	s10 =	sld [smem:$0x3FBA]  }
0x39: {  	_ = 	snop;
	(pc) =	sbr.ind lr, $3  }
0x3a: {  	_ = 	snop  }
0x3b: {  	_ = 	snop  }
0x3c: {  	p2 =	seq.s32 s10, $0x1;
	s10 =	sld [smem:$0x3FB9]  }
0x3d: {  	_ =	shalt  }
0x3e: {  	_ =	shalt  }
0x3f: {  	_ =	shalt  }
0x40: {  	_ =	shalt  }
0x41: {  	_ =	shalt  }
0x42: {  	_ =	shalt  }
0x43: {  	_ =	shalt  }
0x44: {  	_ =	shalt  }
0x45: {  	_ =	shalt  }
0x46: {  	_ =	shalt  }
0x47: {  	_ =	shalt  }
0x48: {  	_ =	shalt  }
0x49: {  	_ =	shalt  }
0x4a: {  	_ =	shalt  }
0x4b: {  	_ =	shalt  }
0x4c: {  	_ =	shalt  }
0x4d: {  	_ =	shalt  }
0x4e: {  	_ =	shalt  }
0x4f: {  	_ =	shalt  }
0x50: {  	_ =	shalt  }
0x51: {  	_ =	shalt  }
0x52: {  	_ =	shalt  }
0x53: {  	_ =	shalt  }
0x54: {  	_ =	shalt  }
0x55: {  	_ =	shalt  }
0x56: {  	_ =	shalt  }
0x57: {  	_ =	shalt  }
0x58: {  	_ =	shalt  }
0x59: {  	_ =	shalt  }
0x5a: {  	_ =	shalt  }
0x5b: {  	_ =	shalt  }
0x5c: {  	_ =	shalt  }
0x5d: {  	_ =	shalt  }
0x5e: {  	_ =	shalt  }
0x5f: {  	_ =	shalt  }
0x60: {  	_ =	shalt  }
0x61: {  	_ =	shalt  }
0x62: {  	_ =	shalt  }
0x63: {  	_ =	shalt  }
0x64: {  	_ =	shalt  }
0x65: {  	_ =	shalt  }
0x66: {  	_ =	shalt  }
0x67: {  	_ =	shalt  }
0x68: {  	_ =	shalt  }
0x69: {  	_ =	shalt  }
0x6a: {  	_ =	shalt  }
0x6b: {  	_ =	shalt  }
0x6c: {  	_ =	shalt  }
0x6d: {  	_ =	shalt  }
0x6e: {  	_ =	shalt  }
0x6f: {  	_ =	shalt  }
0x70: {  	_ =	shalt  }
0x71: {  	_ =	shalt  }
0x72: {  	_ =	shalt  }
0x73: {  	_ =	shalt  }
0x74: {  	_ =	shalt  }
0x75: {  	_ =	shalt  }
0x76: {  	_ =	shalt  }
0x77: {  	_ =	shalt  }
0x78: {  	_ =	shalt  }
0x79: {  	_ =	shalt  }
0x7a: {  	_ =	shalt  }
0x7b: {  	_ =	shalt  }
0x7c: {  	_ =	shalt  }
0x7d: {  	_ =	shalt  }
0x7e: {  	_ =	shalt  }
0x7f: {  	_ =	shalt  }
0x80: {  	_ =	shalt  }
0x81: {  	_ =	shalt  }
0x82: {  	_ =	shalt  }
0x83: {  	_ =	shalt  }
0x84: {  	_ =	shalt  }
0x85: {  	_ =	shalt  }
0x86: {  	_ =	shalt  }
0x87: {  	_ =	shalt  }
.Lfunc_end0:
.L_simem_size_0:
called_computation_lowered:
.L_overlay_start_0:
0x88: {  	s2 =	sld [smem:$0x3FD9]  }
0x89: {  	s3 =	sld [smem:$0x3FFE];
	_ =	sdelay $0x1  }
0x8a: {  	s1 =	srdreg.scid  }
0x8b: {  	s0 =	sand.u32 $0x1, s1  }
0x8c: {  	s17 =	sshll.u32 s0, $0xA;
	s2 =	sadd.s32 s3, s2  }
0x8d: {  	s2 =	sadd.s32 s2, s17  }
0x8e: {  	[smem:$0x3FC5] =	sst s2  }
0x8f: {  	_ = 	snop  }
0x90: {  	s2 =	sld [smem:$0x3FD0];
	(tm) =	ssettm $0x1  }
0x91: {  	s18 =	sld [smem:$0x3FFB];
	_ =	sdelay $0x3  }
0x92: {  	_ =	strace s18  }
0x93: {  	s3 =	sld [smem:$0x3FFC];
	_ =	sdelay $0x3  }
0x94: {  	_ =	strace s3  }
0x95: {  	s3 =	sld [smem:$0x3FFD];
	_ =	sdelay $0x3  }
0x96: {  	_ =	strace s3  }
0x97: {  	_ =	strace $0x8FFFFFFF  }
0x98: {  	s19 =	sld [smem:$0x3FDB];
	_ =	sdelay $0x1  }
0x99: {  	s4 =	simm.s32 $_scs_section_size  }
0x9a: {  	s5 =	simm.s32 $_size__tile_overlayer_lowered;
	s6 =	simm.s32 $_tile_overlayer_lowered  }
0x9b: {  	s22 =	simm.s32 $0x1BFF;
	s21 =	sshll.u32 s6, $0x1;
	s3 =	sadd.s32 s4, s19  }
0x9c: {  	s7 =	simm.s32 $0x0;
	s20 =	sshll.u32 s5, $0x1;
	s5 =	sadd.s32 s21, s3  }
0x9d: {  	[timem:s7], [sflag:s22] =	dma.local [hbm:s5], s20  }
0x9e: {  	_ =	swait.ge [sflag:s22], s20  }
0x9f: {  	s4 =	ssub.s32 $0x0, s20;
	[sflag:s22] =	ssyncset.done $0x0  }
0xa0: {  	[sflag:s22] =	ssyncadd.s32 s4;
	_ =	sdelay $0x1  }
0xa1: {  	s23 =	simm.s32 $0x1B8B  }
0xa2: {  	_ =	swait.ge [sflag:s23], $0x1  }
0xa3: {  	[sflag:s23] =	ssyncset.done $0x0  }
0xa4: {  	s25 =	simm.s32 $0x1B8E;
	s24 =	sld [smem:$0x3FFE];
	[sflag:s23] =	ssyncadd.s32 $0xFFFFFFFF  }
0xa5: {  	s26 =	simm.s32 $execute0_lowered;
	[smem:$0x3FD2] =	sst s25  }
0xa6: {  	s5 =	sshll.u32 s26, $0x1;
	_ =	strace $0x80000046;
	[dreg:$0x1] =	wrdreg $0xFFFFFFFF  }
0xa7: {  	s28 =	simm.s32 $_size_execute0_lowered;
	s3 =	sadd.s32 s3, s5;
	[dreg:$0x0] =	wrdreg $0x0  }
0xa8: {  	s5 =	sshll.u32 s28, $0x1;
	[dreg:$0x2] =	wrdreg s3  }
0xa9: {  	[dreg:$0x3] =	wrdreg s5  }
0xaa: {  	[dreg:$0x4] =	wrdreg $0xC0  }
0xab: {  	_ =	task [dreg:s7], $0x5FFFF  }
0xac: {  	[dreg:$0x1] =	wrdreg $0xFFFFFFFF  }
0xad: {  	[dreg:$0x0] =	wrdreg $0x60  }
0xae: {  	[dreg:$0x2] =	wrdreg s2  }
0xaf: {  	[dreg:$0x3] =	wrdreg s24  }
0xb0: {  	[dreg:$0x4] =	wrdreg $0xA8000  }
0xb1: {  	[dreg:$0x5] =	wrdreg $0x9  }
0xb2: {  	_ =	task.clear_ibuf [dreg:s7], $0x6FFFF;
	_ =	strace $0x90000046  }
0xb3: {  	s29 =	simm.s32 $0x9;
	_ =	strace $0x80000048  }
0xb4: {  	_ =	swait.ge [sflag:s29], $0x1  }
0xb5: {  	[sflag:s29] =	ssyncadd.s32 $0xFFFFFFFF  }
0xb6: {  	_ =	strace $0x90000048  }
0xb7: {  	_ =	sfence  }
0xb8: {  	s30 =	sld [smem:$0x0];
	_ =	sdelay $0x2  }
0xb9: {  	s31 =	sshll.u32 s1, $0xD;
	s1 =	sshrl.u32 s1, $0x2  }
0xba: {  	s3 =	sand.u32 $0x4000, s31;
	s1 =	sadd.s32 s1, s30  }
0xbb: {  	s0 =	sor.u32 s3, s0;
	s1 =	sshll.u32 s1, $0x11  }
0xbc: {  	s0 =	sor.u32 s1, s0  }
0xbd: {  	s0 =	sadd.s32 $0x8F2B, s0  }
0xbe: {  	[sflag:s0] =	ssyncadd.remote.s32 $0x1  }
0xbf: {  	_ =	sfence.sel $0xFFFF  }
0xc0: {  	[dreg:$0x0] =	wrdreg $0xFFFFFFFF;
	(pc) =	sbr.abs _section_cstart, $3  }
0xc1: {  	[dreg:$0x1] =	wrdreg $0xFFFFFFFF  }
0xc2: {  	_ =	task.clear_ibuf [dreg:s7], $0x2FFFF;
	_ =	strace $0x9FFFFFFF  }
0xc3: {  	(tm) =	ssettm $0x7FFFFFFF  }
tec
execute0_lowered:
.L_overlay_start_1:
0x0: {  	(tag) =	ssettag $0x1  }
0x1: {  	s1 =	rddreg [dreg:$0x0]  }
0x2: {  	s0 =	rddreg [dreg:$0x1]  }
0x3: {  	s3 =	rddreg [dreg:$0x2];
	s4 =	simm.s32 $0x0  }
0x4: {  	s13 =	stileid.u32;
	s6 =	srdreg.scid;
	s28 =	simm.s32 $0x2  }
0x5: {  	s29 =	simm.s32 $0x2700;
	s30 =	simm.s32 $0x2780;
	s31 =	simm.s32 $0x0  }
0x6: {  	[smem:$0x7FF] =	sst s4;
	s2 =	smul.u32 $0x2700, s13;
	s5 =	sadd.s32 $0xA800, s0  }
0x7: {  	s6 =	sand.u32 $0x1, s6;
	s7 =	smul.u32 $0x2800, s13;
	s9 =	sadd.s32 $0x5800, s0  }
0x8: {  	s10 =	smul.u32 $0x4E000, s13;
	s11 =	sadd.s32 $0x800, s0;
	p1 =	seq.s32 s13, $0xF  }
0x9: {  	p4 =	sne.s32 s13, $0xF;
	s23 =	sadd.s32 $0x134800, s3;
	s26 =	sadd.s32 $0x56300, s0  }
0xa: {  	_ =	strace $0x80000047;
	s8 =	ssub.s32 $0x2, s6;
	[dreg:$0x9] =	wrdreg s23  }
0xb: {  	p3 =	seq.s32 s6, $0x0;
	p0 =	seq.s32 s6, $0x1;
	[dreg:$0xe] =	wrdreg s26  }
0xc: {  	s23 =	simm.s32 $0x6800;
	s26 =	simm.s32 $0x2800;
	s2 =	sadd.s32 s2, s0  }
0xd: {  	s12 =	sshrl.u32 s8, $0x1;
	s7 =	sshrl.u32 s7, $0x3;
	s17 =	sshrl.u32 s10, $0x2  }
0xe: {  	p2 =	por !p3, !p4;
	p3 =	por !p3, !p1;
	p5 =	por !p4, !p0  }
0xf: {  	p6 =	por !p0, !p1;
	s12 =	ssub.s32 s8, s12;
	s18 =	sadd.s32 s9, s7  }
0x10: {  	s19 =	sadd.s32 s11, s7;
	s8 =	sadd.s32 s17, s3;
	s7 =	sadd.s32 $0x280, s7  }
0x11: {  	p2 =	por !p2, !p2;
	s25 =	sadd.s32 $0x31A00, s2;
	[dreg:$0x4] =	wrdreg s18  }
0x12: {  	p3 =	por !p3, !p3;
	p4 =	por !p5, !p5;
	[dreg:$0x5] =	wrdreg s19  }
0x13: {  	p5 =	por !p6, !p6;
	s20 =	sadd.s32 $0x4000, s8;
	[dreg:$0xd] =	wrdreg s25  }
0x14: {  	p6 =	sne.s32 s6, $0x0;
	s21 =	sadd.s32 $0x8000, s8;
	[dreg:$0x6] =	wrdreg s20  }
0x15: {  	s22 =	sadd.s32 $0xC000, s8;
	s24 =	sadd.s32 $0x10000, s8;
	[dreg:$0x7] =	wrdreg s21  }
0x16: {  	s9 =	sadd.s32 s9, s7;
	s7 =	sadd.s32 s11, s7;
	[dreg:$0x8] =	wrdreg s22  }
0x17: {  	s18 =	sadd.s32 $0x58C00, s2;
	s19 =	sadd.s32 $0x7D500, s0;
	[dreg:$0xa] =	wrdreg s24  }
0x18: {  	s25 =	simm.s32 $0x80;
	[dreg:$0xc] =	wrdreg s7;
	s7 =	simm.s32 @!p3 $0x0  }
0x19: {  	[dreg:$0xb] =	wrdreg s9;
	s20 =	smax.u32 s12, $0x1;
	s7 =	simm.s32 @p3 $0x1  }
0x1a: {  	v0 =	vimm.f32 $0.0e+00;
	s21 =	simm.s32 $0x3;
	s24 =	simm.s32 $0x1;
	[smem:$0x7FD] =	sst s7  }
.LBB2_1:
0x1b: {  	s0 =	rddreg [dreg:$0x4]  }
0x1c: {  	[tilespmem:s4], [sflag:$0x3] =	stream.linear.gather [hbm4b:s0+s4], $0x1400, $0x38;
	[tilespmem:$0x1E100] =	vst v63  }
0x1d: {  	_ =	swait.ge [sflag:s21], $0x1400  }
0x1e: {  	[sflag:s21] =	ssyncset.done $0x0  }
0x1f: {  	s2 =	simm.s32 $0x1400;
	s22 =	rddreg [dreg:$0x5];
	[sflag:s21] =	ssyncadd.s32 $0xFFFFEC00  }
0x20: {  	[tilespmem:s2], [sflag:$0x3] =	stream.linear.gather [hbm4b:s22+s4], $0x1400, $0x38;
	[tilespmem:$0x1E100] =	vst v63  }
0x21: {  	_ =	swait.ge [sflag:s21], $0x1400  }
0x22: {  	s6 =	simm.s32 @!p6 $0x2800;
	[sflag:s21] =	ssyncset.done $0x0  }
0x23: {  	s0 =	simm.s32 @!p6 $0x80;
	s2 =	simm.s32 @!p6 $0x0;
	[sflag:s21] =	ssyncadd.s32 $0xFFFFEC00  }
0x24: {  	[tilespmem:s6], [sflag:$0x1] =	stream.indirect.gather @!p6 [hbm4b:s1+s0], $0x80, s2, s0, $0xb8;
	[tilespmem:$0x1E100] =	vst v63  }
0x25: {  	s0 =	simm.s32 @p0 $0x80;
	s2 =	simm.s32 @p0 $0x0;
	s6 =	simm.s32 @p0 $0x2800  }
0x26: {  	[tilespmem:s6], [sflag:$0x1] =	stream.indirect.gather @p0 [hbm4b:s5+s0], $0x80, s2, s0, $0xb8;
	[tilespmem:$0x1E100] =	vst v63  }
0x27: {  	s0 =	simm.s32 $0x0;
	s2 =	simm.s32 $0x200  }
.LBB2_2:
0x28: {  	p3 =	sne.s32 s2, $0xFE00;
	[tilespmem:s0+$0x6870] =	vst v0  }
0x29: {  	[tilespmem:s0+$0x6800] =	vst v0  }
0x2a: {  	[tilespmem:s0+$0x6810] =	vst v0  }
.Ltmp0:
0x2b: {  	[tilespmem:s0+$0x6820] =	vst v0;
	(pc) =	sbr.rel @p3 .LBB2_2-.Ltmp0, $4  }
0x2c: {  	[tilespmem:s0+$0x6830] =	vst v0  }
0x2d: {  	[tilespmem:s0+$0x6840] =	vst v0  }
0x2e: {  	[tilespmem:s0+$0x6850] =	vst v0  }
0x2f: {  	[tilespmem:s0+$0x6860] =	vst v0;
	s0 =	sshra.s32 s2, $0x2;
	s2 =	sadd.s32 $0x200, s2  }
0x30: {  	[tilespmem:s0+$0x6870] =	vst v0  }
0x31: {  	[tilespmem:s0+$0x6800] =	vst v0  }
0x32: {  	[tilespmem:s0+$0x6810] =	vst v0  }
0x33: {  	[tilespmem:s0+$0x6820] =	vst v0  }
0x34: {  	[tilespmem:s0+$0x6830] =	vst v0  }
0x35: {  	[tilespmem:s0+$0x6840] =	vst v0  }
0x36: {  	[tilespmem:s0+$0x6850] =	vst v0  }
0x37: {  	[tilespmem:s0+$0x6860] =	vst v0  }
0x38: {  	[spmem:s8] =	stream.linear.scatter [tilespmem:s23], [sflag:$0x3], $0x4000, $0x38;
	[tilespmem:$0x1E100] =	vst v63  }
0x39: {  	_ =	swait.ge [sflag:s21], $0x4000  }
0x3a: {  	[sflag:s21] =	ssyncset.done $0x0  }
0x3b: {  	s14 =	rddreg [dreg:$0x6];
	[sflag:s21] =	ssyncadd.s32 $0xFFFFC000  }
0x3c: {  	[spmem:s14] =	stream.linear.scatter [tilespmem:s23], [sflag:$0x3], $0x4000, $0x38;
	[tilespmem:$0x1E100] =	vst v63  }
0x3d: {  	_ =	swait.ge [sflag:s21], $0x4000  }
0x3e: {  	[sflag:s21] =	ssyncset.done $0x0  }
0x3f: {  	s15 =	rddreg [dreg:$0x7];
	[sflag:s21] =	ssyncadd.s32 $0xFFFFC000  }
0x40: {  	[spmem:s15] =	stream.linear.scatter [tilespmem:s23], [sflag:$0x3], $0x4000, $0x38;
	[tilespmem:$0x1E100] =	vst v63  }
0x41: {  	_ =	swait.ge [sflag:s21], $0x4000  }
0x42: {  	[sflag:s21] =	ssyncset.done $0x0  }
0x43: {  	s16 =	rddreg [dreg:$0x8];
	[sflag:s21] =	ssyncadd.s32 $0xFFFFC000  }
0x44: {  	[spmem:s16] =	stream.linear.scatter [tilespmem:s23], [sflag:$0x3], $0x4000, $0x38;
	[tilespmem:$0x1E100] =	vst v63  }
0x45: {  	_ =	swait.ge [sflag:s21], $0x4000  }
0x46: {  	[sflag:s21] =	ssyncset.done $0x0  }
0x47: {  	s0 =	simm.s32 @p1 $0x6800;
	s2 =	rddreg [dreg:$0x9];
	[sflag:s21] =	ssyncadd.s32 $0xFFFFC000  }
0x48: {  	[spmem:s2] =	stream.linear.scatter @p1 [tilespmem:s0], [sflag:$0x3], $0x4000, $0x38;
	[tilespmem:$0x1E100] =	vst v63  }
0x49: {  	s0 =	simm.s32 @p1 $0x3  }
0x4a: {  	_ =	swait.ge @p1 [sflag:s0], $0x4000  }
0x4b: {  	[sflag:s0] =	ssyncset.done @p1 $0x0  }
0x4c: {  	s2 =	rddreg [dreg:$0xa];
	[sflag:s0] =	ssyncadd.s32 @p1 $0xFFFFC000;
	s0 =	simm.s32 @!p1 $0x6800  }
0x4d: {  	[spmem:s2] =	stream.linear.scatter @!p1 [tilespmem:s0], [sflag:$0x3], $0x3800, $0x38;
	[tilespmem:$0x1E100] =	vst v63  }
0x4e: {  	s0 =	simm.s32 @!p1 $0x3  }
0x4f: {  	_ =	swait.ge @!p1 [sflag:s0], $0x3800  }
0x50: {  	[sflag:s0] =	ssyncset.done @!p1 $0x0  }
0x51: {  	s10 =	simm.s32 @!p6 $0x6800;
	[sflag:s0] =	ssyncadd.s32 @!p1 $0xFFFFC800  }
0x52: {  	s2 =	simm.s32 @!p6 $0x80;
	s0 =	simm.s32 @!p6 $0x80;
	[bflag:$0x0] =	sbarrier.arrive $0xFFFF  }
0x53: {  	[tilespmem:s10], [sflag:$0x2] =	stream.indirect.gather @!p6 [hbm4b:s1+s0], $0x80, s2, s0, $0xb8;
	[tilespmem:$0x1E100] =	vst v63  }
0x54: {  	s11 =	simm.s32 @p0 $0x6800;
	s6 =	simm.s32 @p0 $0x80;
	s2 =	simm.s32 @p0 $0x80  }
0x55: {  	[tilespmem:s11], [sflag:$0x2] =	stream.indirect.gather @p0 [hbm4b:s5+s6], $0x80, s2, s6, $0xb8;
	[tilespmem:$0x1E100] =	vst v63  }
0x56: {  	_ =	swait.ge [sflag:s24], $0x4000  }
0x57: {  	[sflag:s24] =	ssyncset.done $0x0  }
0x58: {  	s17 =	simm.s32 $0x1400;
	[sflag:s24] =	ssyncadd.s32 $0xFFFFC000  }
0x59: {  	[spmem:s3] =	stream.indirect.scatter.add.f32 [tilespmem:s26], [sflag:$0x3], $0x80, s17, s25, $0xb8;
	[tilespmem:$0x1E100] =	vst v63  }
0x5a: {  	_ =	swait.ge [sflag:s21], $0x4000  }
0x5b: {  	[sflag:s21] =	ssyncset.done $0x0  }
0x5c: {  	s7 =	simm.s32 @!p6 $0x2800;
	s2 =	simm.s32 @!p6 $0x100;
	[sflag:s21] =	ssyncadd.s32 $0xFFFFC000  }
0x5d: {  	[tilespmem:s7], [sflag:$0x1] =	stream.indirect.gather @!p6 [hbm4b:s1+s0], $0x80, s2, s0, $0xb8;
	[tilespmem:$0x1E100] =	vst v63  }
0x5e: {  	s13 =	simm.s32 @p0 $0x2800;
	s2 =	simm.s32 @p0 $0x100  }
0x5f: {  	[tilespmem:s13], [sflag:$0x1] =	stream.indirect.gather @p0 [hbm4b:s5+s6], $0x80, s2, s6, $0xb8;
	[tilespmem:$0x1E100] =	vst v63  }
0x60: {  	_ =	swait.ge [sflag:s28], $0x4000  }
0x61: {  	[sflag:s28] =	ssyncset.done $0x0  }
0x62: {  	s12 =	simm.s32 $0x400;
	s22 =	simm.s32 $0x1480;
	[sflag:s28] =	ssyncadd.s32 $0xFFFFC000  }
0x63: {  	[spmem:s3] =	stream.indirect.scatter.add.f32 [tilespmem:s23], [sflag:$0x3], $0x80, s22, s25, $0xb8;
	[tilespmem:$0x1E100] =	vst v63  }
0x64: {  	s9 =	simm.s32 @!p6 $0x80;
	s14 =	simm.s32 $0x800;
	_ =	swait.ge [sflag:s21], $0x4000  }
0x65: {  	s15 =	simm.s32 @!p6 $0x100;
	s2 =	simm.s32 @p0 $0x100;
	[sflag:s21] =	ssyncset.done $0x0  }
.LBB2_4:
0x66: {  	s16 =	sadd.s32 @!p6 $0x80, s15;
	[sflag:s21] =	ssyncadd.s32 $0xFFFFC000  }
0x67: {  	[tilespmem:s10], [sflag:$0x2] =	stream.indirect.gather @!p6 [hbm4b:s1+s9], $0x80, s16, s9, $0xb8;
	[tilespmem:$0x1E100] =	vst v63  }
0x68: {  	s16 =	sadd.s32 @p0 $0x80, s2  }
0x69: {  	[tilespmem:s11], [sflag:$0x2] =	stream.indirect.gather @p0 [hbm4b:s5+s6], $0x80, s16, s6, $0xb8;
	[tilespmem:$0x1E100] =	vst v63  }
0x6a: {  	s16 =	smov.u32 s14;
	s14 =	sadd.s32 $0x400, s14;
	_ =	swait.ge [sflag:s24], $0x4000  }
0x6b: {  	s17 =	sshra.s32 s12, $0x2;
	p3 =	sne.s32 s14, $0x4C00;
	[sflag:s24] =	ssyncset.done $0x0  }
0x6c: {  	s22 =	sadd.s32 $0x1400, s17;
	s12 =	smov.u32 s16;
	[sflag:s24] =	ssyncadd.s32 $0xFFFFC000  }
0x6d: {  	[spmem:s3] =	stream.indirect.scatter.add.f32 [tilespmem:s26], [sflag:$0x3], $0x80, s22, s25, $0xb8;
	[tilespmem:$0x1E100] =	vst v63  }
0x6e: {  	_ =	swait.ge [sflag:s21], $0x4000  }
0x6f: {  	[sflag:s21] =	ssyncset.done $0x0  }
0x70: {  	s15 =	sadd.s32 @!p6 $0x100, s15;
	[sflag:s21] =	ssyncadd.s32 $0xFFFFC000  }
0x71: {  	[tilespmem:s7], [sflag:$0x1] =	stream.indirect.gather @!p6 [hbm4b:s1+s9], $0x80, s15, s9, $0xb8;
	[tilespmem:$0x1E100] =	vst v63  }
0x72: {  	s2 =	sadd.s32 @p0 $0x100, s2;
	s9 =	smov.u32 s0  }
0x73: {  	[tilespmem:s13], [sflag:$0x1] =	stream.indirect.gather @p0 [hbm4b:s5+s6], $0x80, s2, s6, $0xb8;
	[tilespmem:$0x1E100] =	vst v63  }
0x74: {  	_ =	swait.ge [sflag:s28], $0x4000  }
.Ltmp1:
0x75: {  	[sflag:s28] =	ssyncset.done $0x0;
	(pc) =	sbr.rel @p3 .LBB2_4-.Ltmp1, $4  }
0x76: {  	s2 =	sadd.s32 $0x1480, s17;
	[sflag:s28] =	ssyncadd.s32 $0xFFFFC000  }
0x77: {  	[spmem:s3] =	stream.indirect.scatter.add.f32 [tilespmem:s23], [sflag:$0x3], $0x80, s2, s25, $0xb8;
	[tilespmem:$0x1E100] =	vst v63  }
0x78: {  	_ =	swait.ge [sflag:s21], $0x4000  }
0x79: {  	s15 =	sshra.s32 @!p6 s12, $0x2;
	s2 =	sshra.s32 @p0 s12, $0x2;
	[sflag:s21] =	ssyncset.done $0x0  }
0x7a: {  	s6 =	sadd.s32 @!p6 $0x80, s15;
	[sflag:s21] =	ssyncadd.s32 $0xFFFFC000  }
0x7b: {  	[tilespmem:s10], [sflag:$0x2] =	stream.indirect.gather @!p6 [hbm4b:s1+s9], $0x80, s6, s9, $0xb8;
	[tilespmem:$0x1E100] =	vst v63  }
0x7c: {  	s7 =	sadd.s32 @p0 $0x80, s2;
	s6 =	simm.s32 @p0 $0x80  }
0x7d: {  	[tilespmem:s11], [sflag:$0x2] =	stream.indirect.gather @p0 [hbm4b:s5+s6], $0x80, s7, s6, $0xb8;
	[tilespmem:$0x1E100] =	vst v63  }
0x7e: {  	_ =	swait.ge [sflag:s24], $0x4000  }
0x7f: {  	s12 =	sshra.s32 s12, $0x2;
	[sflag:s24] =	ssyncset.done $0x0  }
0x80: {  	s22 =	sadd.s32 $0x1400, s12;
	[sflag:s24] =	ssyncadd.s32 $0xFFFFC000  }
0x81: {  	[spmem:s3] =	stream.indirect.scatter.add.f32 [tilespmem:s26], [sflag:$0x3], $0x80, s22, s25, $0xb8;
	[tilespmem:$0x1E100] =	vst v63  }
0x82: {  	_ =	swait.ge [sflag:s21], $0x4000  }
0x83: {  	[sflag:s21] =	ssyncset.done $0x0  }
0x84: {  	s13 =	sadd.s32 @!p6 $0x100, s15;
	s7 =	simm.s32 @!p6 $0x2800;
	[sflag:s21] =	ssyncadd.s32 $0xFFFFC000  }
0x85: {  	[tilespmem:s7], [sflag:$0x1] =	stream.indirect.gather @!p6 [hbm4b:s1+s9], $0x80, s13, s9, $0xb8;
	[tilespmem:$0x1E100] =	vst v63  }
0x86: {  	s2 =	sadd.s32 @p0 $0x100, s2;
	s9 =	simm.s32 @p0 $0x2800  }
0x87: {  	[tilespmem:s9], [sflag:$0x1] =	stream.indirect.gather @p0 [hbm4b:s5+s6], $0x80, s2, s6, $0xb8;
	[tilespmem:$0x1E100] =	vst v63  }
0x88: {  	_ =	swait.ge [sflag:s28], $0x4000  }
0x89: {  	[sflag:s28] =	ssyncset.done $0x0  }
0x8a: {  	s13 =	sadd.s32 $0x1480, s12;
	[sflag:s28] =	ssyncadd.s32 $0xFFFFC000  }
0x8b: {  	[spmem:s3] =	stream.indirect.scatter.add.f32 [tilespmem:s23], [sflag:$0x3], $0x80, s13, s25, $0xb8;
	[tilespmem:$0x1E100] =	vst v63  }
0x8c: {  	_ =	swait.ge [sflag:s21], $0x4000  }
0x8d: {  	[sflag:s21] =	ssyncset.done $0x0  }
0x8e: {  	s2 =	simm.s32 @!p6 $0x1380;
	[sflag:s21] =	ssyncadd.s32 $0xFFFFC000  }
0x8f: {  	[tilespmem:s10], [sflag:$0x2] =	stream.indirect.gather @!p6 [hbm4b:s1+s0], $0x80, s2, s0, $0xb8;
	[tilespmem:$0x1E100] =	vst v63  }
0x90: {  	s2 =	simm.s32 @p0 $0x1380  }
0x91: {  	[tilespmem:s11], [sflag:$0x2] =	stream.indirect.gather @p0 [hbm4b:s5+s6], $0x80, s2, s6, $0xb8;
	[tilespmem:$0x1E100] =	vst v63  }
0x92: {  	_ =	swait.ge [sflag:s24], $0x4000  }
0x93: {  	[sflag:s24] =	ssyncset.done $0x0  }
0x94: {  	[sflag:s24] =	ssyncadd.s32 $0xFFFFC000  }
0x95: {  	[spmem:s3] =	stream.indirect.scatter.add.f32 [tilespmem:s26], [sflag:$0x3], $0x80, s29, s25, $0xb8;
	[tilespmem:$0x1E100] =	vst v63  }
0x96: {  	_ =	swait.ge [sflag:s21], $0x4000  }
0x97: {  	[sflag:s21] =	ssyncset.done $0x0  }
0x98: {  	[sflag:s21] =	ssyncadd.s32 $0xFFFFC000  }
0x99: {  	_ =	swait.ge [sflag:s28], $0x4000  }
0x9a: {  	[sflag:s28] =	ssyncset.done $0x0  }
0x9b: {  	[sflag:s28] =	ssyncadd.s32 $0xFFFFC000  }
0x9c: {  	[spmem:s3] =	stream.indirect.scatter.add.f32 [tilespmem:s23], [sflag:$0x3], $0x80, s30, s25, $0xb8;
	[tilespmem:$0x1E100] =	vst v63  }
0x9d: {  	_ =	swait.ge [sflag:s21], $0x4000  }
0x9e: {  	[sflag:s21] =	ssyncset.done $0x0  }
0x9f: {  	s14 =	rddreg [dreg:$0xb];
	[sflag:s21] =	ssyncadd.s32 $0xFFFFC000  }
0xa0: {  	[tilespmem:s4], [sflag:$0x3] =	stream.linear.gather [hbm4b:s14+s4], $0x1400, $0x38;
	[tilespmem:$0x1E100] =	vst v63  }
0xa1: {  	_ =	swait.ge [sflag:s21], $0x1400  }
0xa2: {  	[sflag:s21] =	ssyncset.done $0x0  }
0xa3: {  	s16 =	simm.s32 $0x1400;
	s15 =	rddreg [dreg:$0xc];
	[sflag:s21] =	ssyncadd.s32 $0xFFFFEC00  }
0xa4: {  	[tilespmem:s16], [sflag:$0x3] =	stream.linear.gather [hbm4b:s15+s4], $0x1400, $0x38;
	[tilespmem:$0x1E100] =	vst v63  }
0xa5: {  	_ =	swait.ge [sflag:s21], $0x1400  }
0xa6: {  	[sflag:s21] =	ssyncset.done $0x0  }
0xa7: {  	s2 =	simm.s32 @!p6 $0x0;
	[sflag:s21] =	ssyncadd.s32 $0xFFFFEC00  }
0xa8: {  	[tilespmem:s7], [sflag:$0x1] =	stream.indirect.gather @!p6 [hbm4b:s1+s0], $0x80, s2, s0, $0xb8;
	[tilespmem:$0x1E100] =	vst v63  }
0xa9: {  	s0 =	simm.s32 @p0 $0x0  }
0xaa: {  	[tilespmem:s9], [sflag:$0x1] =	stream.indirect.gather @p0 [hbm4b:s5+s6], $0x80, s0, s6, $0xb8;
	[tilespmem:$0x1E100] =	vst v63  }
0xab: {  	s10 =	simm.s32 @!p6 $0x6800;
	s2 =	simm.s32 @!p6 $0x80;
	s0 =	simm.s32 @!p6 $0x80  }
0xac: {  	[tilespmem:s10], [sflag:$0x2] =	stream.indirect.gather @!p6 [hbm4b:s1+s0], $0x80, s2, s0, $0xb8;
	[tilespmem:$0x1E100] =	vst v63  }
0xad: {  	s11 =	simm.s32 @p0 $0x6800;
	s2 =	simm.s32 @p0 $0x80  }
0xae: {  	[tilespmem:s11], [sflag:$0x2] =	stream.indirect.gather @p0 [hbm4b:s5+s6], $0x80, s2, s6, $0xb8;
	[tilespmem:$0x1E100] =	vst v63  }
0xaf: {  	_ =	swait.ge [sflag:s24], $0x4000  }
0xb0: {  	[sflag:s24] =	ssyncset.done $0x0  }
0xb1: {  	s17 =	simm.s32 $0x1400;
	[sflag:s24] =	ssyncadd.s32 $0xFFFFC000  }
0xb2: {  	[spmem:s3] =	stream.indirect.scatter.add.f32 [tilespmem:s26], [sflag:$0x3], $0x80, s17, s25, $0xb8;
	[tilespmem:$0x1E100] =	vst v63  }
0xb3: {  	_ =	swait.ge [sflag:s21], $0x4000  }
0xb4: {  	[sflag:s21] =	ssyncset.done $0x0  }
0xb5: {  	s2 =	simm.s32 @!p6 $0x100;
	[sflag:s21] =	ssyncadd.s32 $0xFFFFC000  }
0xb6: {  	[tilespmem:s7], [sflag:$0x1] =	stream.indirect.gather @!p6 [hbm4b:s1+s0], $0x80, s2, s0, $0xb8;
	[tilespmem:$0x1E100] =	vst v63  }
0xb7: {  	s2 =	simm.s32 @p0 $0x100  }
0xb8: {  	[tilespmem:s9], [sflag:$0x1] =	stream.indirect.gather @p0 [hbm4b:s5+s6], $0x80, s2, s6, $0xb8;
	[tilespmem:$0x1E100] =	vst v63  }
0xb9: {  	_ =	swait.ge [sflag:s28], $0x4000  }
0xba: {  	[sflag:s28] =	ssyncset.done $0x0  }
0xbb: {  	s22 =	simm.s32 $0x1480;
	s12 =	simm.s32 @!p6 $0x80;
	[sflag:s28] =	ssyncadd.s32 $0xFFFFC000  }
0xbc: {  	[spmem:s3] =	stream.indirect.scatter.add.f32 [tilespmem:s23], [sflag:$0x3], $0x80, s22, s25, $0xb8;
	[tilespmem:$0x1E100] =	vst v63  }
0xbd: {  	s13 =	simm.s32 $0x400;
	s14 =	simm.s32 $0x800;
	_ =	swait.ge [sflag:s21], $0x4000  }
0xbe: {  	s15 =	simm.s32 @!p6 $0x100;
	s2 =	simm.s32 @p0 $0x100;
	[sflag:s21] =	ssyncset.done $0x0  }
.LBB2_6:
0xbf: {  	s16 =	sadd.s32 @!p6 $0x80, s15;
	[sflag:s21] =	ssyncadd.s32 $0xFFFFC000  }
0xc0: {  	[tilespmem:s10], [sflag:$0x2] =	stream.indirect.gather @!p6 [hbm4b:s1+s12], $0x80, s16, s12, $0xb8;
	[tilespmem:$0x1E100] =	vst v63  }
0xc1: {  	s16 =	sadd.s32 @p0 $0x80, s2  }
0xc2: {  	[tilespmem:s11], [sflag:$0x2] =	stream.indirect.gather @p0 [hbm4b:s5+s6], $0x80, s16, s6, $0xb8;
	[tilespmem:$0x1E100] =	vst v63  }
0xc3: {  	s16 =	smov.u32 s14;
	s14 =	sadd.s32 $0x400, s14;
	_ =	swait.ge [sflag:s24], $0x4000  }
0xc4: {  	s17 =	sshra.s32 s13, $0x2;
	p3 =	sne.s32 s14, $0x4C00;
	[sflag:s24] =	ssyncset.done $0x0  }
0xc5: {  	s22 =	sadd.s32 $0x1400, s17;
	s13 =	smov.u32 s16;
	[sflag:s24] =	ssyncadd.s32 $0xFFFFC000  }
0xc6: {  	[spmem:s3] =	stream.indirect.scatter.add.f32 [tilespmem:s26], [sflag:$0x3], $0x80, s22, s25, $0xb8;
	[tilespmem:$0x1E100] =	vst v63  }
0xc7: {  	_ =	swait.ge [sflag:s21], $0x4000  }
0xc8: {  	[sflag:s21] =	ssyncset.done $0x0  }
0xc9: {  	s15 =	sadd.s32 @!p6 $0x100, s15;
	[sflag:s21] =	ssyncadd.s32 $0xFFFFC000  }
0xca: {  	[tilespmem:s7], [sflag:$0x1] =	stream.indirect.gather @!p6 [hbm4b:s1+s12], $0x80, s15, s12, $0xb8;
	[tilespmem:$0x1E100] =	vst v63  }
0xcb: {  	s2 =	sadd.s32 @p0 $0x100, s2;
	s12 =	smov.u32 s0  }
0xcc: {  	[tilespmem:s9], [sflag:$0x1] =	stream.indirect.gather @p0 [hbm4b:s5+s6], $0x80, s2, s6, $0xb8;
	[tilespmem:$0x1E100] =	vst v63  }
0xcd: {  	_ =	swait.ge [sflag:s28], $0x4000  }
.Ltmp2:
0xce: {  	[sflag:s28] =	ssyncset.done $0x0;
	(pc) =	sbr.rel @p3 .LBB2_6-.Ltmp2, $4  }
0xcf: {  	s2 =	sadd.s32 $0x1480, s17;
	[sflag:s28] =	ssyncadd.s32 $0xFFFFC000  }
0xd0: {  	[spmem:s3] =	stream.indirect.scatter.add.f32 [tilespmem:s23], [sflag:$0x3], $0x80, s2, s25, $0xb8;
	[tilespmem:$0x1E100] =	vst v63  }
0xd1: {  	_ =	swait.ge [sflag:s21], $0x4000  }
0xd2: {  	s15 =	sshra.s32 @!p6 s13, $0x2;
	s2 =	sshra.s32 @p0 s13, $0x2;
	[sflag:s21] =	ssyncset.done $0x0  }
0xd3: {  	s6 =	sadd.s32 @!p6 $0x80, s15;
	[sflag:s21] =	ssyncadd.s32 $0xFFFFC000  }
0xd4: {  	[tilespmem:s10], [sflag:$0x2] =	stream.indirect.gather @!p6 [hbm4b:s1+s12], $0x80, s6, s12, $0xb8;
	[tilespmem:$0x1E100] =	vst v63  }
0xd5: {  	s7 =	simm.s32 @p0 $0x80;
	s6 =	sadd.s32 @p0 $0x80, s2  }
0xd6: {  	[tilespmem:s11], [sflag:$0x2] =	stream.indirect.gather @p0 [hbm4b:s5+s7], $0x80, s6, s7, $0xb8;
	[tilespmem:$0x1E100] =	vst v63  }
0xd7: {  	_ =	swait.ge [sflag:s24], $0x4000  }
0xd8: {  	s16 =	sshra.s32 s13, $0x2;
	[sflag:s24] =	ssyncset.done $0x0  }
0xd9: {  	s9 =	sadd.s32 $0x1400, s16;
	[sflag:s24] =	ssyncadd.s32 $0xFFFFC000  }
0xda: {  	[spmem:s3] =	stream.indirect.scatter.add.f32 [tilespmem:s26], [sflag:$0x3], $0x80, s9, s25, $0xb8;
	[tilespmem:$0x1E100] =	vst v63  }
0xdb: {  	_ =	swait.ge [sflag:s21], $0x4000  }
0xdc: {  	[sflag:s21] =	ssyncset.done $0x0  }
0xdd: {  	s13 =	simm.s32 @!p6 $0x2800;
	s9 =	sadd.s32 @!p6 $0x100, s15;
	[sflag:s21] =	ssyncadd.s32 $0xFFFFC000  }
0xde: {  	[tilespmem:s13], [sflag:$0x1] =	stream.indirect.gather @!p6 [hbm4b:s1+s12], $0x80, s9, s12, $0xb8;
	[tilespmem:$0x1E100] =	vst v63  }
0xdf: {  	s2 =	sadd.s32 @p0 $0x100, s2;
	s9 =	simm.s32 @p0 $0x2800  }
0xe0: {  	[tilespmem:s9], [sflag:$0x1] =	stream.indirect.gather @p0 [hbm4b:s5+s7], $0x80, s2, s7, $0xb8;
	[tilespmem:$0x1E100] =	vst v63  }
0xe1: {  	_ =	swait.ge [sflag:s28], $0x4000  }
0xe2: {  	[sflag:s28] =	ssyncset.done $0x0  }
0xe3: {  	s17 =	sadd.s32 $0x1480, s16;
	[sflag:s28] =	ssyncadd.s32 $0xFFFFC000  }
0xe4: {  	[spmem:s3] =	stream.indirect.scatter.add.f32 [tilespmem:s23], [sflag:$0x3], $0x80, s17, s25, $0xb8;
	[tilespmem:$0x1E100] =	vst v63  }
0xe5: {  	_ =	swait.ge [sflag:s21], $0x4000  }
0xe6: {  	[sflag:s21] =	ssyncset.done $0x0  }
0xe7: {  	s2 =	simm.s32 @!p6 $0x1380;
	[sflag:s21] =	ssyncadd.s32 $0xFFFFC000  }
0xe8: {  	[tilespmem:s10], [sflag:$0x2] =	stream.indirect.gather @!p6 [hbm4b:s1+s0], $0x80, s2, s0, $0xb8;
	[tilespmem:$0x1E100] =	vst v63  }
0xe9: {  	s0 =	simm.s32 @p0 $0x1380  }
0xea: {  	[tilespmem:s11], [sflag:$0x2] =	stream.indirect.gather @p0 [hbm4b:s5+s7], $0x80, s0, s7, $0xb8;
	[tilespmem:$0x1E100] =	vst v63  }
0xeb: {  	_ =	swait.ge [sflag:s24], $0x4000  }
0xec: {  	[sflag:s24] =	ssyncset.done $0x0  }
0xed: {  	[sflag:s24] =	ssyncadd.s32 $0xFFFFC000  }
0xee: {  	[spmem:s3] =	stream.indirect.scatter.add.f32 [tilespmem:s26], [sflag:$0x3], $0x80, s29, s25, $0xb8;
	[tilespmem:$0x1E100] =	vst v63  }
0xef: {  	_ =	swait.ge [sflag:s21], $0x4000  }
0xf0: {  	[sflag:s21] =	ssyncset.done $0x0  }
0xf1: {  	[sflag:s21] =	ssyncadd.s32 $0xFFFFC000  }
0xf2: {  	_ =	swait.ge [sflag:s28], $0x4000  }
0xf3: {  	[sflag:s28] =	ssyncset.done $0x0  }
0xf4: {  	[sflag:s28] =	ssyncadd.s32 $0xFFFFC000  }
0xf5: {  	[spmem:s3] =	stream.indirect.scatter.add.f32 [tilespmem:s23], [sflag:$0x3], $0x80, s30, s25, $0xb8;
	[tilespmem:$0x1E100] =	vst v63  }
0xf6: {  	_ =	swait.ge [sflag:s21], $0x4000  }
0xf7: {  	[sflag:s21] =	ssyncset.done $0x0  }
0xf8: {  	s7 =	stileid.u32;
	[sflag:s21] =	ssyncadd.s32 $0xFFFFC000  }
0xf9: {  	s0 =	sshll.u32 @p2 s7, $0x6;
	[bflag:$0x0] =	sbarrier.arrive $0xFFFF  }
0xfa: {  	s2 =	sshrl.u32 @p2 s8, $0x3;
	s0 =	sor.u32 @p2 $0x1C03, s0;
	s6 =	rddreg [dreg:$0xd]  }
0xfb: {  	[hbm:s6], [sflag:s0] =	dma.local @p2 [spmem:s2], $0x2700  }
0xfc: {  	s0 =	simm.s32 @p2 $0x3  }
0xfd: {  	_ =	swait.ge @p2 [sflag:s0], $0x2700  }
0xfe: {  	s22 =	sld [smem:$0x7FD];
	_ =	sdelay $0x2  }
0xff: {  	[sflag:s0] =	ssyncset.done @p2 $0x0;
	s6 =	rddreg [dreg:$0xe];
	p3 =	seq.s32 s22, $0x1  }
0x100: {  	[sflag:s0] =	ssyncadd.s32 @p2 $0xFFFFD900;
	s0 =	sshrl.u32 @p3 s8, $0x3;
	s2 =	simm.s32 @p3 $0x1FC3  }
0x101: {  	[hbm:s6], [sflag:s2] =	dma.local @p3 [spmem:s0], $0x2800  }
0x102: {  	s0 =	simm.s32 @p3 $0x3  }
0x103: {  	_ =	swait.ge @p3 [sflag:s0], $0x2800  }
0x104: {  	s2 =	sshll.u32 @p4 s7, $0x6;
	[sflag:s0] =	ssyncset.done @p3 $0x0  }
0x105: {  	[sflag:s0] =	ssyncadd.s32 @p3 $0xFFFFD800;
	s0 =	sor.u32 @p4 $0x1C03, s2;
	s2 =	sshrl.u32 @p4 s8, $0x3  }
0x106: {  	[hbm:s18], [sflag:s0] =	dma.local @p4 [spmem:s2], $0x2700  }
0x107: {  	s0 =	simm.s32 @p4 $0x3  }
0x108: {  	s31 =	sadd.s32 $0x1, s31;
	_ =	swait.ge @p4 [sflag:s0], $0x2700  }
0x109: {  	p3 =	sne.s32 s31, s20;
	[sflag:s0] =	ssyncset.done @p4 $0x0  }
0x10a: {  	s2 =	simm.s32 @p5 $0x1FC3;
	[sflag:s0] =	ssyncadd.s32 @p4 $0xFFFFD900;
	s0 =	sshrl.u32 @p5 s8, $0x3  }
0x10b: {  	[hbm:s19], [sflag:s2] =	dma.local @p5 [spmem:s0], $0x2800  }
.Ltmp3:
0x10c: {  	_ = 	snop;
	(pc) =	sbr.rel @p3 .LBB2_1-.Ltmp3, $4  }
0x10d: {  	s0 =	simm.s32 @p5 $0x3  }
0x10e: {  	_ =	swait.ge @p5 [sflag:s0], $0x2800  }
0x10f: {  	[sflag:s0] =	ssyncset.done @p5 $0x0  }
0x110: {  	s6 =	stileid.u32;
	[sflag:s0] =	ssyncadd.s32 @p5 $0xFFFFD800  }
0x111: {  	_ =	sfence.sel $0x180000  }
0x112: {  	[bflag:$0x0] =	sbarrier.arrive $0xFFFF  }
0x113: {  	_ =	strace $0x90000047  }
0x114: {  	[bflag:$0x2] =	sbarrier.arrive $0xFFFF  }
0x115: {  	p0 =	sne.s32 s6, $0x0;
	s0 =	rddreg [dreg:$0x3]  }
0x116: {  	s0 =	sadd.s32 @!p0 $0x100000, s0  }
0x117: {  	[sflag:s0] =	ssyncadd.tile.s32 @!p0 $0x1;
	_ =	shalt  }
.Lfunc_end2:
_tile_overlayer_lowered:
.L_overlay_start_2:
0x118: {  	(tag) =	ssettag $0x2  }
0x119: {  	s0 =	rddreg [dreg:$0x0];
	s2 =	stileid.u32  }
0x11a: {  	s1 =	rddreg [dreg:$0x1];
	p0 =	sne.s32 s2, $0x0  }
0x11b: {  	s3 =	rddreg [dreg:$0x2];
	[bflag:$0x3] =	sbarrier.arrive $0xFFFF;
	s2 =	simm.s32 @!p0 $0x1C03  }
0x11c: {  	[timem:s3], [sflag:s2] =	dma.local @!p0 [hbm:s0], s1  }
0x11d: {  	s0 =	simm.s32 @!p0 $0x3  }
0x11e: {  	_ =	swait.ge @!p0 [sflag:s0], s1  }
0x11f: {  	s1 =	ssub.s32 @!p0 $0x0, s1;
	[sflag:s0] =	ssyncset.done @!p0 $0x0  }
0x120: {  	[sflag:s0] =	ssyncadd.s32 @!p0 s1  }
0x121: {  	[bflag:$0x3] =	sbarrier.arrive $0xFFFF  }
0x122: {  	_ =	shalt  }

</sc_bundles>
